<compile_context>
chip_gen: v7x
topology: tpu7x:2x2x1
jax: 0.10.2.dev20260603
libtpu: 0.0.44.dev20260713+nightly
codegen_flags: <defaults>
</compile_context>

<pallas_src>
import functools

import numpy as np

import jax
import jax.numpy as jnp
from jax import lax
from jax.experimental import pallas as pl
from jax.experimental.pallas import tpu as pltpu
from jax.experimental.pallas import tpu_sc as plsc

N = 10000
F = 128
HID = 256
E = 320000

NC = 2
NS = 16
NW = NC * NS

NPAD = 10112
STRIPE = NPAD // NS
C = 128
EPAD = 327680
KD = EPAD // NW // C
U = 1
CU = C // U
PH = (40, 40)
QMAX = max(PH)
NROWS = EPAD // C
DPAD = 10240
DSTRIPE = DPAD // NS

ROWB = 2000
GRID = N // ROWB


@functools.cache
def _sc_kernels():
    mesh = plsc.VectorSubcoreMesh(core_axis_name="c", subcore_axis_name="s")

    @functools.partial(
        pl.kernel,
        out_type=jax.ShapeDtypeStruct((NC, DPAD), jnp.float32),
        mesh=mesh,
        scratch_types=[
            pltpu.VMEM((KD, 2, 128), jnp.int32),
            pltpu.VMEM((128,), jnp.float32),
            pltpu.VMEM_SHARED((DPAD,), jnp.float32),
        ],
    )
    def sc_degree(edge_hbm, zeros_hbm, ones_hbm, out_hbm, dst_v, ones_v, acc):
        c = lax.axis_index("c")
        s = lax.axis_index("s")
        wid = s * NC + c
        pltpu.sync_copy(edge_hbm.at[pl.ds(wid * KD, KD)], dst_v)
        pltpu.sync_copy(ones_hbm, ones_v)
        pltpu.sync_copy(zeros_hbm, acc.at[pl.ds(s * DSTRIPE, DSTRIPE)])
        plsc.subcore_barrier()

        @pl.loop(0, KD)
        def _(j):
            pltpu.sync_copy(ones_v, acc.at[dst_v.at[j, 1]], add=True)

        plsc.subcore_barrier()
        pltpu.sync_copy(acc.at[pl.ds(s * DSTRIPE, DSTRIPE)],
                        out_hbm.at[c, pl.ds(s * DSTRIPE, DSTRIPE)])

    @functools.partial(
        pl.kernel,
        out_type=jax.ShapeDtypeStruct((NC, NPAD, F), jnp.float32),
        mesh=mesh,
        scratch_types=[
            pltpu.VMEM((QMAX, 2, C), jnp.int32),
            pltpu.VMEM((C, F), jnp.float32),
            pltpu.VMEM((C, F), jnp.float32),
            pltpu.VMEM_SHARED((NPAD, F), jnp.float32),
            pltpu.SemaphoreType.DMA,
            pltpu.SemaphoreType.DMA,
            pltpu.SemaphoreType.DMA,
            pltpu.SemaphoreType.DMA,
        ],
    )
    def sc_aggregate(g_hbm, edge_hbm, zeros_hbm, out_hbm,
                     idx_v, buf0, buf1, acc, sg0, sg1, ss0, ss1):
        c = lax.axis_index("c")
        s = lax.axis_index("s")
        with jax.named_scope("agg_zero"):
            pltpu.sync_copy(zeros_hbm, acc.at[pl.ds(s * STRIPE, STRIPE)])
            plsc.subcore_barrier()

        bufs = (buf0, buf1)
        sem_g = (sg0, sg1)
        sem_s = (ss0, ss1)

        def gathers(q, b):
            pltpu.async_copy(g_hbm.at[idx_v.at[q, 0]], bufs[b], sem_g[b])

        def wait_gathers(b):
            pltpu.make_async_copy(g_hbm.at[idx_v.at[0, 0]], bufs[b],
                                  sem_g[b]).wait()

        def scatter(q, b):
            pltpu.async_copy(bufs[b], acc.at[idx_v.at[q, 1]], sem_s[b],
                             add=True)

        def wait_scatter(b):
            pltpu.make_async_copy(bufs[b], acc.at[idx_v.at[0, 1]],
                                  sem_s[b]).wait()

        def pipeline(base, phases):
            off = 0
            for Q in phases:
                pltpu.sync_copy(edge_hbm.at[pl.ds(base + off, Q)],
                                idx_v.at[pl.ds(0, Q)])
                off += Q
                gathers(0, 0)
                wait_gathers(0)
                scatter(0, 0)
                gathers(1, 1)
                @pl.loop(0, (Q - 2) // 2)
                def _(i):
                    for b in (1, 0):
                        q = 2 * i + 2 - b
                        wait_gathers(b)
                        scatter(q, b)
                        wait_scatter(1 - b)
                        gathers(q + 1, 1 - b)
                wait_gathers(1)
                scatter(Q - 1, 1)
                wait_scatter(0)
                wait_scatter(1)

        with jax.named_scope("agg_edges"):
            pipeline((s * NC + c) * KD, PH)
            plsc.subcore_barrier()
        with jax.named_scope("agg_out"):
            pltpu.sync_copy(acc.at[pl.ds(s * STRIPE, STRIPE)],
                            out_hbm.at[c, pl.ds(s * STRIPE, STRIPE)])

    return sc_degree, sc_aggregate


def _sc_degree(*args):
    return _sc_kernels()[0](*args)


def _sc_aggregate(*args):
    return _sc_kernels()[1](*args)



def _dinvs(d0_ref, d1_ref):
    deg = d0_ref[...] + d1_ref[...] + 1.0
    return lax.rsqrt(deg), 1.0 / deg


def _tc_prescale_kernel(d0_ref, d1_ref, x_ref, g_ref):
    dinv, _ = _dinvs(d0_ref, d1_ref)
    g_ref[...] = x_ref[...] * dinv


def _tc_mid_kernel(a0_ref, a1_ref, x_ref, d0_ref, d1_ref,
                   w1_ref, b1_ref, w2_ref, t2_ref, g2_ref):
    dinv, dinv2 = _dinvs(d0_ref, d1_ref)
    p = dinv * (a0_ref[0] + a1_ref[0]) + dinv2 * x_ref[...]
    h = jnp.maximum(
        jnp.dot(p, w1_ref[...], preferred_element_type=jnp.float32)
        + b1_ref[...], 0.0)
    t2 = jnp.dot(h, w2_ref[...], preferred_element_type=jnp.float32)
    t2_ref[...] = t2
    g2_ref[...] = t2 * dinv


def _tc_final_kernel(a0_ref, a1_ref, t2_ref, d0_ref, d1_ref, b2_ref,
                     out_ref):
    dinv, dinv2 = _dinvs(d0_ref, d1_ref)
    o = dinv * (a0_ref[0] + a1_ref[0]) + dinv2 * t2_ref[...] + b2_ref[...]
    m = jnp.max(o, axis=1, keepdims=True)
    e = jnp.exp(o - m)
    lse = jnp.log(jnp.sum(e, axis=1, keepdims=True)) + m
    out_ref[...] = o - lse


def _row_spec(width):
    return pl.BlockSpec((ROWB, width), lambda i: (i, 0))


def _agg_spec(core):
    return pl.BlockSpec((1, ROWB, F), lambda i, core=core: (core, i, 0))


def _full_spec(shape):
    return pl.BlockSpec(shape, lambda i: tuple(0 for _ in shape))


_PAD = EPAD - E
_PADR = _PAD // C
_PAD3 = np.empty((_PADR, 2, C), dtype=np.int32)
_PAD3[:, 0, :] = (np.arange(_PAD, dtype=np.int32) % N).reshape(_PADR, C)
_PAD3[:, 1, :] = (N + np.arange(_PAD, dtype=np.int32)
                  % (NPAD - N)).reshape(_PADR, C)


def kernel(x, edge_index, W1, b1, W2, b2):
    ei3 = jnp.moveaxis(edge_index.astype(jnp.int32).reshape(2, E // C, C),
                       0, 1)
    e3 = jnp.concatenate([ei3, jnp.asarray(_PAD3)], axis=0)

    zeros1 = jnp.zeros((DSTRIPE,), jnp.float32)
    zeros2 = jnp.zeros((STRIPE, F), jnp.float32)
    ones_c = jnp.ones((128,), jnp.float32)

    degp = _sc_degree(e3, zeros1, ones_c)
    d0 = degp[0, :N].reshape(N, 1)
    d1 = degp[1, :N].reshape(N, 1)

    g1 = pl.pallas_call(
        _tc_prescale_kernel,
        grid=(GRID,),
        in_specs=[_row_spec(1), _row_spec(1), _row_spec(F)],
        out_specs=_row_spec(F),
        out_shape=jax.ShapeDtypeStruct((N, F), jnp.float32),
    )(d0, d1, x)

    agg1 = _sc_aggregate(g1, e3, zeros2)

    t2, g2 = pl.pallas_call(
        _tc_mid_kernel,
        grid=(GRID,),
        in_specs=[
            _agg_spec(0), _agg_spec(1), _row_spec(F),
            _row_spec(1), _row_spec(1),
            _full_spec((F, HID)), _full_spec((1, HID)), _full_spec((HID, F)),
        ],
        out_specs=[_row_spec(F), _row_spec(F)],
        out_shape=[
            jax.ShapeDtypeStruct((N, F), jnp.float32),
            jax.ShapeDtypeStruct((N, F), jnp.float32),
        ],
    )(agg1, agg1, x, d0, d1, W1, b1.reshape(1, HID), W2)

    agg2 = _sc_aggregate(g2, e3, zeros2)

    out = pl.pallas_call(
        _tc_final_kernel,
        grid=(GRID,),
        in_specs=[
            _agg_spec(0), _agg_spec(1), _row_spec(F),
            _row_spec(1), _row_spec(1), _full_spec((1, F)),
        ],
        out_specs=_row_spec(F),
        out_shape=jax.ShapeDtypeStruct((N, F), jnp.float32),
    )(agg2, agg2, t2, d0, d1, b2.reshape(1, F))

    return out

# --- scband reference (transcript-rebuilt; emitter-appended) ---
"""Pipeline reference for scband-gcn-3633542332618 (READ-ONLY COPY).

The authoritative reference and input builder live on the scoring server;
editing this copy changes nothing except your own understanding.
"""

import jax, jax.numpy as jnp
import numpy as np

N_NODES = 10000
IN_DIM = 128
HID_DIM = 256
OUT_DIM = 128


def setup_inputs(seed: int = 0) -> dict:
    key = jax.random.key(seed)
    k1, k2, k3, k4, k5, k6 = jax.random.split(key, 6)
    x = jax.random.normal(k1, (N_NODES, IN_DIM), dtype=jnp.float32)
    edge_index = jax.random.randint(k2, (2, 320000), 0, N_NODES, dtype=jnp.int64)
    # Glorot-style init for GCNConv weights, zeros for biases (PyG default)
    W1 = jax.random.normal(k3, (IN_DIM, HID_DIM), dtype=jnp.float32) * (1.0 / np.sqrt(IN_DIM))
    b1 = jnp.zeros((HID_DIM,), dtype=jnp.float32)
    W2 = jax.random.normal(k4, (HID_DIM, OUT_DIM), dtype=jnp.float32) * (1.0 / np.sqrt(HID_DIM))
    b2 = jnp.zeros((OUT_DIM,), dtype=jnp.float32)
    return {"x": x, "edge_index": edge_index, "W1": W1, "b1": b1, "W2": W2, "b2": b2}


def _gcn_conv(x, edge_index, W, b, n_nodes):
    # PyG GCNConv: add self-loops, symmetric normalization, linear transform, scatter-add aggregate
    loop = jnp.arange(n_nodes, dtype=edge_index.dtype)
    src = jnp.concatenate([edge_index[0], loop])
    dst = jnp.concatenate([edge_index[1], loop])
    deg = jnp.zeros((n_nodes,), dtype=x.dtype).at[dst].add(1.0)
    dinv = jnp.where(deg > 0, deg ** -0.5, 0.0)
    norm = dinv[src] * dinv[dst]
    h = x @ W
    msg = h[src] * norm[:, None]
    out = jnp.zeros((n_nodes, W.shape[1]), dtype=x.dtype).at[dst].add(msg)
    return out + b


def reference(x, edge_index, W1, b1, W2, b2):
    n = x.shape[0]
    # layer 0 -> relu -> dropout (eval mode: no-op)
    h = _gcn_conv(x, edge_index, W1, b1, n)
    h = jax.nn.relu(h)
    # final layer + log_softmax over feature dim
    out = _gcn_conv(h, edge_index, W2, b2, n)
    return jax.nn.log_softmax(out, axis=1)

if __name__ == "__main__":
    import jax
    _d = setup_inputs()
    print(jax.jit(kernel)(*tuple(_d.values())))

</pallas_src>

<mosaic_0001>
#map = affine_map<(d0, d1) -> (0, 0)>
#map1 = affine_map<(d0, d1) -> (0, 0, 0)>
module attributes {stable_mosaic.version = 14 : i64} {
  func.func @sc_aggregate(%arg0: i32, %arg1: i32, %arg2: memref<10000x128xf32, #tpu.memory_space<hbm>>, %arg3: memref<2560x2x128xi32, #tpu.memory_space<hbm>>, %arg4: memref<632x128xf32, #tpu.memory_space<hbm>>, %arg5: memref<2x10112x128xf32, #tpu.memory_space<hbm>>, %arg6: memref<40x2x128xi32, #tpu.memory_space<vmem>>, %arg7: memref<128x128xf32, #tpu.memory_space<vmem>>, %arg8: memref<128x128xf32, #tpu.memory_space<vmem>>, %arg9: memref<10112x128xf32, #tpu.memory_space<vmem_shared>>, %arg10: memref<!tpu.dma_semaphore, #tpu.memory_space<semaphore_mem>>, %arg11: memref<!tpu.dma_semaphore, #tpu.memory_space<semaphore_mem>>, %arg12: memref<!tpu.dma_semaphore, #tpu.memory_space<semaphore_mem>>, %arg13: memref<!tpu.dma_semaphore, #tpu.memory_space<semaphore_mem>>) attributes {dimension_semantics = [#tpu.dimension_semantics<core_parallel>, #tpu.dimension_semantics<subcore_parallel>], iteration_bounds = array<i64: 2, 16>, scalar_prefetch = 0 : i64, scratch_operands = 8 : i64, tpu.core_type = #tpu.core_type<sc_vector_subcore>, window_params = [{transform_indices = #map}, {transform_indices = #map1}, {transform_indices = #map}, {transform_indices = #map1}]} {
    "tpu.trace_start"() <{level = 10 : i32, message = "agg_zero"}> : () -> ()
    %mul3A = arith.constant 632 : i32
    %mul3A_0 = arith.muli %arg1, %mul3A : i32
    "tpu.region"() ({
      %run_scoped3A = tpu.sem_alloc : memref<!tpu.dma_semaphore, #tpu.memory_space<semaphore_mem>>
      %dma_start3A_149 = arith.constant 0 : i32
      %dma_start3A_150 = tpu.memref_slice %arg9[%mul3A_0, %dma_start3A_149] : memref<10112x128xf32, #tpu.memory_space<vmem_shared>> -> memref<632x128xf32, #tpu.memory_space<vmem_shared>>
      tpu.enqueue_dma source(%arg4 : memref<632x128xf32, #tpu.memory_space<hbm>>) target(%dma_start3A_150 : memref<632x128xf32, #tpu.memory_space<vmem_shared>>) target_semaphore(%run_scoped3A : memref<!tpu.dma_semaphore, #tpu.memory_space<semaphore_mem>>)
      %dma_wait3A_151 = arith.constant 0 : i32
      %dma_wait3A_152 = tpu.memref_slice %arg9[%mul3A_0, %dma_wait3A_151] : memref<10112x128xf32, #tpu.memory_space<vmem_shared>> -> memref<632x128xf32, #tpu.memory_space<vmem_shared>>
      tpu.wait_dma2 semaphore(%run_scoped3A : memref<!tpu.dma_semaphore, #tpu.memory_space<semaphore_mem>>) src(%arg4 : memref<632x128xf32, #tpu.memory_space<hbm>>) dst(%dma_wait3A_152 : memref<632x128xf32, #tpu.memory_space<vmem_shared>>)
      tpu.yield
    }) : () -> ()
    %barrier3A = arith.constant 0 : index
    tpu.barrier barrier_id(%barrier3A)
    "tpu.trace_stop"() : () -> ()
    "tpu.trace_start"() <{level = 10 : i32, message = "agg_edges"}> : () -> ()
    %mul3A_1 = arith.constant 2 : i32
    %mul3A_2 = arith.muli %arg1, %mul3A_1 : i32
    %add3A = arith.addi %mul3A_2, %arg0 : i32
    %mul3A_3 = arith.constant 80 : i32
    %mul3A_4 = arith.muli %add3A, %mul3A_3 : i32
    %add3A_5 = arith.constant 0 : i32
    %add3A_6 = arith.addi %mul3A_4, %add3A_5 : i32
    "tpu.region"() ({
      %run_scoped3A = tpu.sem_alloc : memref<!tpu.dma_semaphore, #tpu.memory_space<semaphore_mem>>
      %dma_start3A_149 = arith.constant 0 : i32
      %dma_start3A_150 = arith.constant 0 : i32
      %dma_start3A_151 = arith.constant 0 : i32
      %dma_start3A_152 = tpu.memref_slice %arg6[%dma_start3A_149, %dma_start3A_150, %dma_start3A_151] : memref<40x2x128xi32, #tpu.memory_space<vmem>> -> memref<40x2x128xi32, #tpu.memory_space<vmem>>
      %dma_start3A_153 = arith.constant 0 : i32
      %dma_start3A_154 = arith.constant 0 : i32
      %dma_start3A_155 = tpu.memref_slice %arg3[%add3A_6, %dma_start3A_153, %dma_start3A_154] : memref<2560x2x128xi32, #tpu.memory_space<hbm>> -> memref<40x2x128xi32, #tpu.memory_space<hbm>>
      %dma_start3A_156 = arith.constant 0 : i32
      %dma_start3A_157 = arith.constant 0 : i32
      %dma_start3A_158 = arith.constant 0 : i32
      %dma_start3A_159 = tpu.memref_slice %arg6[%dma_start3A_156, %dma_start3A_157, %dma_start3A_158] : memref<40x2x128xi32, #tpu.memory_space<vmem>> -> memref<40x2x128xi32, #tpu.memory_space<vmem>>
      %dma_start3A_160 = arith.constant 0 : i32
      %dma_start3A_161 = arith.constant 0 : i32
      %dma_start3A_162 = tpu.memref_slice %arg3[%add3A_6, %dma_start3A_160, %dma_start3A_161] : memref<2560x2x128xi32, #tpu.memory_space<hbm>> -> memref<40x2x128xi32, #tpu.memory_space<hbm>>
      tpu.enqueue_dma source(%dma_start3A_162 : memref<40x2x128xi32, #tpu.memory_space<hbm>>) target(%dma_start3A_159 : memref<40x2x128xi32, #tpu.memory_space<vmem>>) target_semaphore(%run_scoped3A : memref<!tpu.dma_semaphore, #tpu.memory_space<semaphore_mem>>)
      %dma_wait3A_163 = arith.constant 0 : i32
      %dma_wait3A_164 = arith.constant 0 : i32
      %dma_wait3A_165 = arith.constant 0 : i32
      %dma_wait3A_166 = tpu.memref_slice %arg6[%dma_wait3A_163, %dma_wait3A_164, %dma_wait3A_165] : memref<40x2x128xi32, #tpu.memory_space<vmem>> -> memref<40x2x128xi32, #tpu.memory_space<vmem>>
      %dma_wait3A_167 = arith.constant 0 : i32
      %dma_wait3A_168 = arith.constant 0 : i32
      %dma_wait3A_169 = tpu.memref_slice %arg3[%add3A_6, %dma_wait3A_167, %dma_wait3A_168] : memref<2560x2x128xi32, #tpu.memory_space<hbm>> -> memref<40x2x128xi32, #tpu.memory_space<hbm>>
      %dma_wait3A_170 = arith.constant 0 : i32
      %dma_wait3A_171 = arith.constant 0 : i32
      %dma_wait3A_172 = arith.constant 0 : i32
      %dma_wait3A_173 = tpu.memref_slice %arg6[%dma_wait3A_170, %dma_wait3A_171, %dma_wait3A_172] : memref<40x2x128xi32, #tpu.memory_space<vmem>> -> memref<40x2x128xi32, #tpu.memory_space<vmem>>
      %dma_wait3A_174 = arith.constant 0 : i32
      %dma_wait3A_175 = arith.constant 0 : i32
      %dma_wait3A_176 = tpu.memref_slice %arg3[%add3A_6, %dma_wait3A_174, %dma_wait3A_175] : memref<2560x2x128xi32, #tpu.memory_space<hbm>> -> memref<40x2x128xi32, #tpu.memory_space<hbm>>
      tpu.wait_dma2 semaphore(%run_scoped3A : memref<!tpu.dma_semaphore, #tpu.memory_space<semaphore_mem>>) src(%dma_wait3A_176 : memref<40x2x128xi32, #tpu.memory_space<hbm>>) dst(%dma_wait3A_173 : memref<40x2x128xi32, #tpu.memory_space<vmem>>)
      tpu.yield
    }) : () -> ()
    %dma_start3A = arith.constant 0 : i32
    %dma_start3A_7 = arith.constant 0 : i32
    %dma_start3A_8 = arith.constant 0 : i32
    %dma_start3A_9 = tpu.memref_slice %arg6[%dma_start3A, %dma_start3A_7, %dma_start3A_8] : memref<40x2x128xi32, #tpu.memory_space<vmem>> -> memref<1x1x128xi32, #tpu.memory_space<vmem>>
    %dma_start3A_10 = tpu.memref_squeeze %dma_start3A_9 : memref<1x1x128xi32, #tpu.memory_space<vmem>> -> memref<128xi32, #tpu.memory_space<vmem>>
    %dma_start3A_11 = arith.constant 0 : i32
    %dma_start3A_12 = arith.constant 0 : i32
    %dma_start3A_13 = tpu.memref_slice %arg2[%dma_start3A_11, %dma_start3A_12] : memref<10000x128xf32, #tpu.memory_space<hbm>> -> memref<10000x128xf32, #tpu.memory_space<hbm>>
    tpu.enqueue_indirect_dma source(%dma_start3A_13 : memref<10000x128xf32, #tpu.memory_space<hbm>>) target(%arg7 : memref<128x128xf32, #tpu.memory_space<vmem>>) offsets(%dma_start3A_10 : memref<128xi32, #tpu.memory_space<vmem>>) semaphore(%arg10 : memref<!tpu.dma_semaphore, #tpu.memory_space<semaphore_mem>>)
    %dma_wait3A = arith.constant 0 : i32
    %dma_wait3A_14 = arith.constant 0 : i32
    %dma_wait3A_15 = arith.constant 0 : i32
    %dma_wait3A_16 = tpu.memref_slice %arg6[%dma_wait3A, %dma_wait3A_14, %dma_wait3A_15] : memref<40x2x128xi32, #tpu.memory_space<vmem>> -> memref<1x1x128xi32, #tpu.memory_space<vmem>>
    %dma_wait3A_17 = tpu.memref_squeeze %dma_wait3A_16 : memref<1x1x128xi32, #tpu.memory_space<vmem>> -> memref<128xi32, #tpu.memory_space<vmem>>
    %dma_wait3A_18 = arith.constant 0 : i32
    %dma_wait3A_19 = arith.constant 0 : i32
    %dma_wait3A_20 = tpu.memref_slice %arg2[%dma_wait3A_18, %dma_wait3A_19] : memref<10000x128xf32, #tpu.memory_space<hbm>> -> memref<10000x128xf32, #tpu.memory_space<hbm>>
    tpu.wait_indirect_dma semaphore(%arg10 : memref<!tpu.dma_semaphore, #tpu.memory_space<semaphore_mem>>) src(%dma_wait3A_20 : memref<10000x128xf32, #tpu.memory_space<hbm>>) dst(%arg7 : memref<128x128xf32, #tpu.memory_space<vmem>>)
    %dma_start3A_21 = arith.constant 0 : i32
    %dma_start3A_22 = arith.constant 1 : i32
    %dma_start3A_23 = arith.constant 0 : i32
    %dma_start3A_24 = tpu.memref_slice %arg6[%dma_start3A_21, %dma_start3A_22, %dma_start3A_23] : memref<40x2x128xi32, #tpu.memory_space<vmem>> -> memref<1x1x128xi32, #tpu.memory_space<vmem>>
    %dma_start3A_25 = tpu.memref_squeeze %dma_start3A_24 : memref<1x1x128xi32, #tpu.memory_space<vmem>> -> memref<128xi32, #tpu.memory_space<vmem>>
    %dma_start3A_26 = arith.constant 0 : i32
    %dma_start3A_27 = arith.constant 0 : i32
    %dma_start3A_28 = tpu.memref_slice %arg9[%dma_start3A_26, %dma_start3A_27] : memref<10112x128xf32, #tpu.memory_space<vmem_shared>> -> memref<10112x128xf32, #tpu.memory_space<vmem_shared>>
    tpu.enqueue_indirect_dma source(%arg7 : memref<128x128xf32, #tpu.memory_space<vmem>>) target(%dma_start3A_28 : memref<10112x128xf32, #tpu.memory_space<vmem_shared>>) offsets(%dma_start3A_25 : memref<128xi32, #tpu.memory_space<vmem>>) semaphore(%arg12 : memref<!tpu.dma_semaphore, #tpu.memory_space<semaphore_mem>>) {add = true}
    %dma_start3A_29 = arith.constant 1 : i32
    %dma_start3A_30 = arith.constant 0 : i32
    %dma_start3A_31 = arith.constant 0 : i32
    %dma_start3A_32 = tpu.memref_slice %arg6[%dma_start3A_29, %dma_start3A_30, %dma_start3A_31] : memref<40x2x128xi32, #tpu.memory_space<vmem>> -> memref<1x1x128xi32, #tpu.memory_space<vmem>>
    %dma_start3A_33 = tpu.memref_squeeze %dma_start3A_32 : memref<1x1x128xi32, #tpu.memory_space<vmem>> -> memref<128xi32, #tpu.memory_space<vmem>>
    %dma_start3A_34 = arith.constant 0 : i32
    %dma_start3A_35 = arith.constant 0 : i32
    %dma_start3A_36 = tpu.memref_slice %arg2[%dma_start3A_34, %dma_start3A_35] : memref<10000x128xf32, #tpu.memory_space<hbm>> -> memref<10000x128xf32, #tpu.memory_space<hbm>>
    tpu.enqueue_indirect_dma source(%dma_start3A_36 : memref<10000x128xf32, #tpu.memory_space<hbm>>) target(%arg8 : memref<128x128xf32, #tpu.memory_space<vmem>>) offsets(%dma_start3A_33 : memref<128xi32, #tpu.memory_space<vmem>>) semaphore(%arg11 : memref<!tpu.dma_semaphore, #tpu.memory_space<semaphore_mem>>)
    %scan3A = arith.constant 0 : i32
    %scan3A_37 = arith.constant 19 : i32
    %scan3A_38 = arith.addi %scan3A, %scan3A_37 : i32
    %scan3A_39 = arith.constant 1 : i32
    scf.for %scan3A_149 = %scan3A to %scan3A_38 step %scan3A_39  : i32 {
      %mul3A_150 = arith.constant 1 : i32
      %mul3A_151 = arith.muli %scan3A_149, %mul3A_150 : i32
      %add3A_152 = arith.constant 0 : i32
      %add3A_153 = arith.addi %add3A_152, %mul3A_151 : i32
      %mul3A_154 = arith.constant 2 : i32
      %mul3A_155 = arith.muli %mul3A_154, %add3A_153 : i32
      %add3A_156 = arith.constant 2 : i32
      %add3A_157 = arith.addi %mul3A_155, %add3A_156 : i32
      %sub3A = arith.constant 1 : i32
      %sub3A_158 = arith.subi %add3A_157, %sub3A : i32
      %dma_wait3A_159 = arith.constant 0 : i32
      %dma_wait3A_160 = arith.constant 0 : i32
      %dma_wait3A_161 = arith.constant 0 : i32
      %dma_wait3A_162 = tpu.memref_slice %arg6[%dma_wait3A_159, %dma_wait3A_160, %dma_wait3A_161] : memref<40x2x128xi32, #tpu.memory_space<vmem>> -> memref<1x1x128xi32, #tpu.memory_space<vmem>>
      %dma_wait3A_163 = tpu.memref_squeeze %dma_wait3A_162 : memref<1x1x128xi32, #tpu.memory_space<vmem>> -> memref<128xi32, #tpu.memory_space<vmem>>
      %dma_wait3A_164 = arith.constant 0 : i32
      %dma_wait3A_165 = arith.constant 0 : i32
      %dma_wait3A_166 = tpu.memref_slice %arg2[%dma_wait3A_164, %dma_wait3A_165] : memref<10000x128xf32, #tpu.memory_space<hbm>> -> memref<10000x128xf32, #tpu.memory_space<hbm>>
      tpu.wait_indirect_dma semaphore(%arg11 : memref<!tpu.dma_semaphore, #tpu.memory_space<semaphore_mem>>) src(%dma_wait3A_166 : memref<10000x128xf32, #tpu.memory_space<hbm>>) dst(%arg8 : memref<128x128xf32, #tpu.memory_space<vmem>>)
      %dma_start3A_167 = arith.constant 1 : i32
      %dma_start3A_168 = arith.constant 0 : i32
      %dma_start3A_169 = tpu.memref_slice %arg6[%sub3A_158, %dma_start3A_167, %dma_start3A_168] : memref<40x2x128xi32, #tpu.memory_space<vmem>> -> memref<1x1x128xi32, #tpu.memory_space<vmem>>
      %dma_start3A_170 = tpu.memref_squeeze %dma_start3A_169 : memref<1x1x128xi32, #tpu.memory_space<vmem>> -> memref<128xi32, #tpu.memory_space<vmem>>
      %dma_start3A_171 = arith.constant 0 : i32
      %dma_start3A_172 = arith.constant 0 : i32
      %dma_start3A_173 = tpu.memref_slice %arg9[%dma_start3A_171, %dma_start3A_172] : memref<10112x128xf32, #tpu.memory_space<vmem_shared>> -> memref<10112x128xf32, #tpu.memory_space<vmem_shared>>
      tpu.enqueue_indirect_dma source(%arg8 : memref<128x128xf32, #tpu.memory_space<vmem>>) target(%dma_start3A_173 : memref<10112x128xf32, #tpu.memory_space<vmem_shared>>) offsets(%dma_start3A_170 : memref<128xi32, #tpu.memory_space<vmem>>) semaphore(%arg13 : memref<!tpu.dma_semaphore, #tpu.memory_space<semaphore_mem>>) {add = true}
      %dma_wait3A_174 = arith.constant 0 : i32
      %dma_wait3A_175 = arith.constant 1 : i32
      %dma_wait3A_176 = arith.constant 0 : i32
      %dma_wait3A_177 = tpu.memref_slice %arg6[%dma_wait3A_174, %dma_wait3A_175, %dma_wait3A_176] : memref<40x2x128xi32, #tpu.memory_space<vmem>> -> memref<1x1x128xi32, #tpu.memory_space<vmem>>
      %dma_wait3A_178 = tpu.memref_squeeze %dma_wait3A_177 : memref<1x1x128xi32, #tpu.memory_space<vmem>> -> memref<128xi32, #tpu.memory_space<vmem>>
      %dma_wait3A_179 = arith.constant 0 : i32
      %dma_wait3A_180 = arith.constant 0 : i32
      %dma_wait3A_181 = tpu.memref_slice %arg9[%dma_wait3A_179, %dma_wait3A_180] : memref<10112x128xf32, #tpu.memory_space<vmem_shared>> -> memref<10112x128xf32, #tpu.memory_space<vmem_shared>>
      tpu.wait_indirect_dma semaphore(%arg12 : memref<!tpu.dma_semaphore, #tpu.memory_space<semaphore_mem>>) src(%arg7 : memref<128x128xf32, #tpu.memory_space<vmem>>) dst(%dma_wait3A_181 : memref<10112x128xf32, #tpu.memory_space<vmem_shared>>)
      %add3A_182 = arith.constant 1 : i32
      %add3A_183 = arith.addi %sub3A_158, %add3A_182 : i32
      %dma_start3A_184 = arith.constant 0 : i32
      %dma_start3A_185 = arith.constant 0 : i32
      %dma_start3A_186 = tpu.memref_slice %arg6[%add3A_183, %dma_start3A_184, %dma_start3A_185] : memref<40x2x128xi32, #tpu.memory_space<vmem>> -> memref<1x1x128xi32, #tpu.memory_space<vmem>>
      %dma_start3A_187 = tpu.memref_squeeze %dma_start3A_186 : memref<1x1x128xi32, #tpu.memory_space<vmem>> -> memref<128xi32, #tpu.memory_space<vmem>>
      %dma_start3A_188 = arith.constant 0 : i32
      %dma_start3A_189 = arith.constant 0 : i32
      %dma_start3A_190 = tpu.memref_slice %arg2[%dma_start3A_188, %dma_start3A_189] : memref<10000x128xf32, #tpu.memory_space<hbm>> -> memref<10000x128xf32, #tpu.memory_space<hbm>>
      tpu.enqueue_indirect_dma source(%dma_start3A_190 : memref<10000x128xf32, #tpu.memory_space<hbm>>) target(%arg7 : memref<128x128xf32, #tpu.memory_space<vmem>>) offsets(%dma_start3A_187 : memref<128xi32, #tpu.memory_space<vmem>>) semaphore(%arg10 : memref<!tpu.dma_semaphore, #tpu.memory_space<semaphore_mem>>)
      %mul3A_191 = arith.constant 2 : i32
      %mul3A_192 = arith.muli %mul3A_191, %add3A_153 : i32
      %add3A_193 = arith.constant 2 : i32
      %add3A_194 = arith.addi %mul3A_192, %add3A_193 : i32
      %sub3A_195 = arith.constant 0 : i32
      %sub3A_196 = arith.subi %add3A_194, %sub3A_195 : i32
      %dma_wait3A_197 = arith.constant 0 : i32
      %dma_wait3A_198 = arith.constant 0 : i32
      %dma_wait3A_199 = arith.constant 0 : i32
      %dma_wait3A_200 = tpu.memref_slice %arg6[%dma_wait3A_197, %dma_wait3A_198, %dma_wait3A_199] : memref<40x2x128xi32, #tpu.memory_space<vmem>> -> memref<1x1x128xi32, #tpu.memory_space<vmem>>
      %dma_wait3A_201 = tpu.memref_squeeze %dma_wait3A_200 : memref<1x1x128xi32, #tpu.memory_space<vmem>> -> memref<128xi32, #tpu.memory_space<vmem>>
      %dma_wait3A_202 = arith.constant 0 : i32
      %dma_wait3A_203 = arith.constant 0 : i32
      %dma_wait3A_204 = tpu.memref_slice %arg2[%dma_wait3A_202, %dma_wait3A_203] : memref<10000x128xf32, #tpu.memory_space<hbm>> -> memref<10000x128xf32, #tpu.memory_space<hbm>>
      tpu.wait_indirect_dma semaphore(%arg10 : memref<!tpu.dma_semaphore, #tpu.memory_space<semaphore_mem>>) src(%dma_wait3A_204 : memref<10000x128xf32, #tpu.memory_space<hbm>>) dst(%arg7 : memref<128x128xf32, #tpu.memory_space<vmem>>)
      %dma_start3A_205 = arith.constant 1 : i32
      %dma_start3A_206 = arith.constant 0 : i32
      %dma_start3A_207 = tpu.memref_slice %arg6[%sub3A_196, %dma_start3A_205, %dma_start3A_206] : memref<40x2x128xi32, #tpu.memory_space<vmem>> -> memref<1x1x128xi32, #tpu.memory_space<vmem>>
      %dma_start3A_208 = tpu.memref_squeeze %dma_start3A_207 : memref<1x1x128xi32, #tpu.memory_space<vmem>> -> memref<128xi32, #tpu.memory_space<vmem>>
      %dma_start3A_209 = arith.constant 0 : i32
      %dma_start3A_210 = arith.constant 0 : i32
      %dma_start3A_211 = tpu.memref_slice %arg9[%dma_start3A_209, %dma_start3A_210] : memref<10112x128xf32, #tpu.memory_space<vmem_shared>> -> memref<10112x128xf32, #tpu.memory_space<vmem_shared>>
      tpu.enqueue_indirect_dma source(%arg7 : memref<128x128xf32, #tpu.memory_space<vmem>>) target(%dma_start3A_211 : memref<10112x128xf32, #tpu.memory_space<vmem_shared>>) offsets(%dma_start3A_208 : memref<128xi32, #tpu.memory_space<vmem>>) semaphore(%arg12 : memref<!tpu.dma_semaphore, #tpu.memory_space<semaphore_mem>>) {add = true}
      %dma_wait3A_212 = arith.constant 0 : i32
      %dma_wait3A_213 = arith.constant 1 : i32
      %dma_wait3A_214 = arith.constant 0 : i32
      %dma_wait3A_215 = tpu.memref_slice %arg6[%dma_wait3A_212, %dma_wait3A_213, %dma_wait3A_214] : memref<40x2x128xi32, #tpu.memory_space<vmem>> -> memref<1x1x128xi32, #tpu.memory_space<vmem>>
      %dma_wait3A_216 = tpu.memref_squeeze %dma_wait3A_215 : memref<1x1x128xi32, #tpu.memory_space<vmem>> -> memref<128xi32, #tpu.memory_space<vmem>>
      %dma_wait3A_217 = arith.constant 0 : i32
      %dma_wait3A_218 = arith.constant 0 : i32
      %dma_wait3A_219 = tpu.memref_slice %arg9[%dma_wait3A_217, %dma_wait3A_218] : memref<10112x128xf32, #tpu.memory_space<vmem_shared>> -> memref<10112x128xf32, #tpu.memory_space<vmem_shared>>
      tpu.wait_indirect_dma semaphore(%arg13 : memref<!tpu.dma_semaphore, #tpu.memory_space<semaphore_mem>>) src(%arg8 : memref<128x128xf32, #tpu.memory_space<vmem>>) dst(%dma_wait3A_219 : memref<10112x128xf32, #tpu.memory_space<vmem_shared>>)
      %add3A_220 = arith.constant 1 : i32
      %add3A_221 = arith.addi %sub3A_196, %add3A_220 : i32
      %dma_start3A_222 = arith.constant 0 : i32
      %dma_start3A_223 = arith.constant 0 : i32
      %dma_start3A_224 = tpu.memref_slice %arg6[%add3A_221, %dma_start3A_222, %dma_start3A_223] : memref<40x2x128xi32, #tpu.memory_space<vmem>> -> memref<1x1x128xi32, #tpu.memory_space<vmem>>
      %dma_start3A_225 = tpu.memref_squeeze %dma_start3A_224 : memref<1x1x128xi32, #tpu.memory_space<vmem>> -> memref<128xi32, #tpu.memory_space<vmem>>
      %dma_start3A_226 = arith.constant 0 : i32
      %dma_start3A_227 = arith.constant 0 : i32
      %dma_start3A_228 = tpu.memref_slice %arg2[%dma_start3A_226, %dma_start3A_227] : memref<10000x128xf32, #tpu.memory_space<hbm>> -> memref<10000x128xf32, #tpu.memory_space<hbm>>
      tpu.enqueue_indirect_dma source(%dma_start3A_228 : memref<10000x128xf32, #tpu.memory_space<hbm>>) target(%arg8 : memref<128x128xf32, #tpu.memory_space<vmem>>) offsets(%dma_start3A_225 : memref<128xi32, #tpu.memory_space<vmem>>) semaphore(%arg11 : memref<!tpu.dma_semaphore, #tpu.memory_space<semaphore_mem>>)
    }
    %scan3A_40 = arith.constant 19 : i32
    %dma_wait3A_41 = arith.constant 0 : i32
    %dma_wait3A_42 = arith.constant 0 : i32
    %dma_wait3A_43 = arith.constant 0 : i32
    %dma_wait3A_44 = tpu.memref_slice %arg6[%dma_wait3A_41, %dma_wait3A_42, %dma_wait3A_43] : memref<40x2x128xi32, #tpu.memory_space<vmem>> -> memref<1x1x128xi32, #tpu.memory_space<vmem>>
    %dma_wait3A_45 = tpu.memref_squeeze %dma_wait3A_44 : memref<1x1x128xi32, #tpu.memory_space<vmem>> -> memref<128xi32, #tpu.memory_space<vmem>>
    %dma_wait3A_46 = arith.constant 0 : i32
    %dma_wait3A_47 = arith.constant 0 : i32
    %dma_wait3A_48 = tpu.memref_slice %arg2[%dma_wait3A_46, %dma_wait3A_47] : memref<10000x128xf32, #tpu.memory_space<hbm>> -> memref<10000x128xf32, #tpu.memory_space<hbm>>
    tpu.wait_indirect_dma semaphore(%arg11 : memref<!tpu.dma_semaphore, #tpu.memory_space<semaphore_mem>>) src(%dma_wait3A_48 : memref<10000x128xf32, #tpu.memory_space<hbm>>) dst(%arg8 : memref<128x128xf32, #tpu.memory_space<vmem>>)
    %dma_start3A_49 = arith.constant 39 : i32
    %dma_start3A_50 = arith.constant 1 : i32
    %dma_start3A_51 = arith.constant 0 : i32
    %dma_start3A_52 = tpu.memref_slice %arg6[%dma_start3A_49, %dma_start3A_50, %dma_start3A_51] : memref<40x2x128xi32, #tpu.memory_space<vmem>> -> memref<1x1x128xi32, #tpu.memory_space<vmem>>
    %dma_start3A_53 = tpu.memref_squeeze %dma_start3A_52 : memref<1x1x128xi32, #tpu.memory_space<vmem>> -> memref<128xi32, #tpu.memory_space<vmem>>
    %dma_start3A_54 = arith.constant 0 : i32
    %dma_start3A_55 = arith.constant 0 : i32
    %dma_start3A_56 = tpu.memref_slice %arg9[%dma_start3A_54, %dma_start3A_55] : memref<10112x128xf32, #tpu.memory_space<vmem_shared>> -> memref<10112x128xf32, #tpu.memory_space<vmem_shared>>
    tpu.enqueue_indirect_dma source(%arg8 : memref<128x128xf32, #tpu.memory_space<vmem>>) target(%dma_start3A_56 : memref<10112x128xf32, #tpu.memory_space<vmem_shared>>) offsets(%dma_start3A_53 : memref<128xi32, #tpu.memory_space<vmem>>) semaphore(%arg13 : memref<!tpu.dma_semaphore, #tpu.memory_space<semaphore_mem>>) {add = true}
    %dma_wait3A_57 = arith.constant 0 : i32
    %dma_wait3A_58 = arith.constant 1 : i32
    %dma_wait3A_59 = arith.constant 0 : i32
    %dma_wait3A_60 = tpu.memref_slice %arg6[%dma_wait3A_57, %dma_wait3A_58, %dma_wait3A_59] : memref<40x2x128xi32, #tpu.memory_space<vmem>> -> memref<1x1x128xi32, #tpu.memory_space<vmem>>
    %dma_wait3A_61 = tpu.memref_squeeze %dma_wait3A_60 : memref<1x1x128xi32, #tpu.memory_space<vmem>> -> memref<128xi32, #tpu.memory_space<vmem>>
    %dma_wait3A_62 = arith.constant 0 : i32
    %dma_wait3A_63 = arith.constant 0 : i32
    %dma_wait3A_64 = tpu.memref_slice %arg9[%dma_wait3A_62, %dma_wait3A_63] : memref<10112x128xf32, #tpu.memory_space<vmem_shared>> -> memref<10112x128xf32, #tpu.memory_space<vmem_shared>>
    tpu.wait_indirect_dma semaphore(%arg12 : memref<!tpu.dma_semaphore, #tpu.memory_space<semaphore_mem>>) src(%arg7 : memref<128x128xf32, #tpu.memory_space<vmem>>) dst(%dma_wait3A_64 : memref<10112x128xf32, #tpu.memory_space<vmem_shared>>)
    %dma_wait3A_65 = arith.constant 0 : i32
    %dma_wait3A_66 = arith.constant 1 : i32
    %dma_wait3A_67 = arith.constant 0 : i32
    %dma_wait3A_68 = tpu.memref_slice %arg6[%dma_wait3A_65, %dma_wait3A_66, %dma_wait3A_67] : memref<40x2x128xi32, #tpu.memory_space<vmem>> -> memref<1x1x128xi32, #tpu.memory_space<vmem>>
    %dma_wait3A_69 = tpu.memref_squeeze %dma_wait3A_68 : memref<1x1x128xi32, #tpu.memory_space<vmem>> -> memref<128xi32, #tpu.memory_space<vmem>>
    %dma_wait3A_70 = arith.constant 0 : i32
    %dma_wait3A_71 = arith.constant 0 : i32
    %dma_wait3A_72 = tpu.memref_slice %arg9[%dma_wait3A_70, %dma_wait3A_71] : memref<10112x128xf32, #tpu.memory_space<vmem_shared>> -> memref<10112x128xf32, #tpu.memory_space<vmem_shared>>
    tpu.wait_indirect_dma semaphore(%arg13 : memref<!tpu.dma_semaphore, #tpu.memory_space<semaphore_mem>>) src(%arg8 : memref<128x128xf32, #tpu.memory_space<vmem>>) dst(%dma_wait3A_72 : memref<10112x128xf32, #tpu.memory_space<vmem_shared>>)
    %add3A_73 = arith.constant 40 : i32
    %add3A_74 = arith.addi %mul3A_4, %add3A_73 : i32
    "tpu.region"() ({
      %run_scoped3A = tpu.sem_alloc : memref<!tpu.dma_semaphore, #tpu.memory_space<semaphore_mem>>
      %dma_start3A_149 = arith.constant 0 : i32
      %dma_start3A_150 = arith.constant 0 : i32
      %dma_start3A_151 = arith.constant 0 : i32
      %dma_start3A_152 = tpu.memref_slice %arg6[%dma_start3A_149, %dma_start3A_150, %dma_start3A_151] : memref<40x2x128xi32, #tpu.memory_space<vmem>> -> memref<40x2x128xi32, #tpu.memory_space<vmem>>
      %dma_start3A_153 = arith.constant 0 : i32
      %dma_start3A_154 = arith.constant 0 : i32
      %dma_start3A_155 = tpu.memref_slice %arg3[%add3A_74, %dma_start3A_153, %dma_start3A_154] : memref<2560x2x128xi32, #tpu.memory_space<hbm>> -> memref<40x2x128xi32, #tpu.memory_space<hbm>>
      %dma_start3A_156 = arith.constant 0 : i32
      %dma_start3A_157 = arith.constant 0 : i32
      %dma_start3A_158 = arith.constant 0 : i32
      %dma_start3A_159 = tpu.memref_slice %arg6[%dma_start3A_156, %dma_start3A_157, %dma_start3A_158] : memref<40x2x128xi32, #tpu.memory_space<vmem>> -> memref<40x2x128xi32, #tpu.memory_space<vmem>>
      %dma_start3A_160 = arith.constant 0 : i32
      %dma_start3A_161 = arith.constant 0 : i32
      %dma_start3A_162 = tpu.memref_slice %arg3[%add3A_74, %dma_start3A_160, %dma_start3A_161] : memref<2560x2x128xi32, #tpu.memory_space<hbm>> -> memref<40x2x128xi32, #tpu.memory_space<hbm>>
      tpu.enqueue_dma source(%dma_start3A_162 : memref<40x2x128xi32, #tpu.memory_space<hbm>>) target(%dma_start3A_159 : memref<40x2x128xi32, #tpu.memory_space<vmem>>) target_semaphore(%run_scoped3A : memref<!tpu.dma_semaphore, #tpu.memory_space<semaphore_mem>>)
      %dma_wait3A_163 = arith.constant 0 : i32
      %dma_wait3A_164 = arith.constant 0 : i32
      %dma_wait3A_165 = arith.constant 0 : i32
      %dma_wait3A_166 = tpu.memref_slice %arg6[%dma_wait3A_163, %dma_wait3A_164, %dma_wait3A_165] : memref<40x2x128xi32, #tpu.memory_space<vmem>> -> memref<40x2x128xi32, #tpu.memory_space<vmem>>
      %dma_wait3A_167 = arith.constant 0 : i32
      %dma_wait3A_168 = arith.constant 0 : i32
      %dma_wait3A_169 = tpu.memref_slice %arg3[%add3A_74, %dma_wait3A_167, %dma_wait3A_168] : memref<2560x2x128xi32, #tpu.memory_space<hbm>> -> memref<40x2x128xi32, #tpu.memory_space<hbm>>
      %dma_wait3A_170 = arith.constant 0 : i32
      %dma_wait3A_171 = arith.constant 0 : i32
      %dma_wait3A_172 = arith.constant 0 : i32
      %dma_wait3A_173 = tpu.memref_slice %arg6[%dma_wait3A_170, %dma_wait3A_171, %dma_wait3A_172] : memref<40x2x128xi32, #tpu.memory_space<vmem>> -> memref<40x2x128xi32, #tpu.memory_space<vmem>>
      %dma_wait3A_174 = arith.constant 0 : i32
      %dma_wait3A_175 = arith.constant 0 : i32
      %dma_wait3A_176 = tpu.memref_slice %arg3[%add3A_74, %dma_wait3A_174, %dma_wait3A_175] : memref<2560x2x128xi32, #tpu.memory_space<hbm>> -> memref<40x2x128xi32, #tpu.memory_space<hbm>>
      tpu.wait_dma2 semaphore(%run_scoped3A : memref<!tpu.dma_semaphore, #tpu.memory_space<semaphore_mem>>) src(%dma_wait3A_176 : memref<40x2x128xi32, #tpu.memory_space<hbm>>) dst(%dma_wait3A_173 : memref<40x2x128xi32, #tpu.memory_space<vmem>>)
      tpu.yield
    }) : () -> ()
    %dma_start3A_75 = arith.constant 0 : i32
    %dma_start3A_76 = arith.constant 0 : i32
    %dma_start3A_77 = arith.constant 0 : i32
    %dma_start3A_78 = tpu.memref_slice %arg6[%dma_start3A_75, %dma_start3A_76, %dma_start3A_77] : memref<40x2x128xi32, #tpu.memory_space<vmem>> -> memref<1x1x128xi32, #tpu.memory_space<vmem>>
    %dma_start3A_79 = tpu.memref_squeeze %dma_start3A_78 : memref<1x1x128xi32, #tpu.memory_space<vmem>> -> memref<128xi32, #tpu.memory_space<vmem>>
    %dma_start3A_80 = arith.constant 0 : i32
    %dma_start3A_81 = arith.constant 0 : i32
    %dma_start3A_82 = tpu.memref_slice %arg2[%dma_start3A_80, %dma_start3A_81] : memref<10000x128xf32, #tpu.memory_space<hbm>> -> memref<10000x128xf32, #tpu.memory_space<hbm>>
    tpu.enqueue_indirect_dma source(%dma_start3A_82 : memref<10000x128xf32, #tpu.memory_space<hbm>>) target(%arg7 : memref<128x128xf32, #tpu.memory_space<vmem>>) offsets(%dma_start3A_79 : memref<128xi32, #tpu.memory_space<vmem>>) semaphore(%arg10 : memref<!tpu.dma_semaphore, #tpu.memory_space<semaphore_mem>>)
    %dma_wait3A_83 = arith.constant 0 : i32
    %dma_wait3A_84 = arith.constant 0 : i32
    %dma_wait3A_85 = arith.constant 0 : i32
    %dma_wait3A_86 = tpu.memref_slice %arg6[%dma_wait3A_83, %dma_wait3A_84, %dma_wait3A_85] : memref<40x2x128xi32, #tpu.memory_space<vmem>> -> memref<1x1x128xi32, #tpu.memory_space<vmem>>
    %dma_wait3A_87 = tpu.memref_squeeze %dma_wait3A_86 : memref<1x1x128xi32, #tpu.memory_space<vmem>> -> memref<128xi32, #tpu.memory_space<vmem>>
    %dma_wait3A_88 = arith.constant 0 : i32
    %dma_wait3A_89 = arith.constant 0 : i32
    %dma_wait3A_90 = tpu.memref_slice %arg2[%dma_wait3A_88, %dma_wait3A_89] : memref<10000x128xf32, #tpu.memory_space<hbm>> -> memref<10000x128xf32, #tpu.memory_space<hbm>>
    tpu.wait_indirect_dma semaphore(%arg10 : memref<!tpu.dma_semaphore, #tpu.memory_space<semaphore_mem>>) src(%dma_wait3A_90 : memref<10000x128xf32, #tpu.memory_space<hbm>>) dst(%arg7 : memref<128x128xf32, #tpu.memory_space<vmem>>)
    %dma_start3A_91 = arith.constant 0 : i32
    %dma_start3A_92 = arith.constant 1 : i32
    %dma_start3A_93 = arith.constant 0 : i32
    %dma_start3A_94 = tpu.memref_slice %arg6[%dma_start3A_91, %dma_start3A_92, %dma_start3A_93] : memref<40x2x128xi32, #tpu.memory_space<vmem>> -> memref<1x1x128xi32, #tpu.memory_space<vmem>>
    %dma_start3A_95 = tpu.memref_squeeze %dma_start3A_94 : memref<1x1x128xi32, #tpu.memory_space<vmem>> -> memref<128xi32, #tpu.memory_space<vmem>>
    %dma_start3A_96 = arith.constant 0 : i32
    %dma_start3A_97 = arith.constant 0 : i32
    %dma_start3A_98 = tpu.memref_slice %arg9[%dma_start3A_96, %dma_start3A_97] : memref<10112x128xf32, #tpu.memory_space<vmem_shared>> -> memref<10112x128xf32, #tpu.memory_space<vmem_shared>>
    tpu.enqueue_indirect_dma source(%arg7 : memref<128x128xf32, #tpu.memory_space<vmem>>) target(%dma_start3A_98 : memref<10112x128xf32, #tpu.memory_space<vmem_shared>>) offsets(%dma_start3A_95 : memref<128xi32, #tpu.memory_space<vmem>>) semaphore(%arg12 : memref<!tpu.dma_semaphore, #tpu.memory_space<semaphore_mem>>) {add = true}
    %dma_start3A_99 = arith.constant 1 : i32
    %dma_start3A_100 = arith.constant 0 : i32
    %dma_start3A_101 = arith.constant 0 : i32
    %dma_start3A_102 = tpu.memref_slice %arg6[%dma_start3A_99, %dma_start3A_100, %dma_start3A_101] : memref<40x2x128xi32, #tpu.memory_space<vmem>> -> memref<1x1x128xi32, #tpu.memory_space<vmem>>
    %dma_start3A_103 = tpu.memref_squeeze %dma_start3A_102 : memref<1x1x128xi32, #tpu.memory_space<vmem>> -> memref<128xi32, #tpu.memory_space<vmem>>
    %dma_start3A_104 = arith.constant 0 : i32
    %dma_start3A_105 = arith.constant 0 : i32
    %dma_start3A_106 = tpu.memref_slice %arg2[%dma_start3A_104, %dma_start3A_105] : memref<10000x128xf32, #tpu.memory_space<hbm>> -> memref<10000x128xf32, #tpu.memory_space<hbm>>
    tpu.enqueue_indirect_dma source(%dma_start3A_106 : memref<10000x128xf32, #tpu.memory_space<hbm>>) target(%arg8 : memref<128x128xf32, #tpu.memory_space<vmem>>) offsets(%dma_start3A_103 : memref<128xi32, #tpu.memory_space<vmem>>) semaphore(%arg11 : memref<!tpu.dma_semaphore, #tpu.memory_space<semaphore_mem>>)
    %scan3A_107 = arith.constant 0 : i32
    %scan3A_108 = arith.constant 19 : i32
    %scan3A_109 = arith.addi %scan3A_107, %scan3A_108 : i32
    %scan3A_110 = arith.constant 1 : i32
    scf.for %scan3A_149 = %scan3A_107 to %scan3A_109 step %scan3A_110  : i32 {
      %mul3A_150 = arith.constant 1 : i32
      %mul3A_151 = arith.muli %scan3A_149, %mul3A_150 : i32
      %add3A_152 = arith.constant 0 : i32
      %add3A_153 = arith.addi %add3A_152, %mul3A_151 : i32
      %mul3A_154 = arith.constant 2 : i32
      %mul3A_155 = arith.muli %mul3A_154, %add3A_153 : i32
      %add3A_156 = arith.constant 2 : i32
      %add3A_157 = arith.addi %mul3A_155, %add3A_156 : i32
      %sub3A = arith.constant 1 : i32
      %sub3A_158 = arith.subi %add3A_157, %sub3A : i32
      %dma_wait3A_159 = arith.constant 0 : i32
      %dma_wait3A_160 = arith.constant 0 : i32
      %dma_wait3A_161 = arith.constant 0 : i32
      %dma_wait3A_162 = tpu.memref_slice %arg6[%dma_wait3A_159, %dma_wait3A_160, %dma_wait3A_161] : memref<40x2x128xi32, #tpu.memory_space<vmem>> -> memref<1x1x128xi32, #tpu.memory_space<vmem>>
      %dma_wait3A_163 = tpu.memref_squeeze %dma_wait3A_162 : memref<1x1x128xi32, #tpu.memory_space<vmem>> -> memref<128xi32, #tpu.memory_space<vmem>>
      %dma_wait3A_164 = arith.constant 0 : i32
      %dma_wait3A_165 = arith.constant 0 : i32
      %dma_wait3A_166 = tpu.memref_slice %arg2[%dma_wait3A_164, %dma_wait3A_165] : memref<10000x128xf32, #tpu.memory_space<hbm>> -> memref<10000x128xf32, #tpu.memory_space<hbm>>
      tpu.wait_indirect_dma semaphore(%arg11 : memref<!tpu.dma_semaphore, #tpu.memory_space<semaphore_mem>>) src(%dma_wait3A_166 : memref<10000x128xf32, #tpu.memory_space<hbm>>) dst(%arg8 : memref<128x128xf32, #tpu.memory_space<vmem>>)
      %dma_start3A_167 = arith.constant 1 : i32
      %dma_start3A_168 = arith.constant 0 : i32
      %dma_start3A_169 = tpu.memref_slice %arg6[%sub3A_158, %dma_start3A_167, %dma_start3A_168] : memref<40x2x128xi32, #tpu.memory_space<vmem>> -> memref<1x1x128xi32, #tpu.memory_space<vmem>>
      %dma_start3A_170 = tpu.memref_squeeze %dma_start3A_169 : memref<1x1x128xi32, #tpu.memory_space<vmem>> -> memref<128xi32, #tpu.memory_space<vmem>>
      %dma_start3A_171 = arith.constant 0 : i32
      %dma_start3A_172 = arith.constant 0 : i32
      %dma_start3A_173 = tpu.memref_slice %arg9[%dma_start3A_171, %dma_start3A_172] : memref<10112x128xf32, #tpu.memory_space<vmem_shared>> -> memref<10112x128xf32, #tpu.memory_space<vmem_shared>>
      tpu.enqueue_indirect_dma source(%arg8 : memref<128x128xf32, #tpu.memory_space<vmem>>) target(%dma_start3A_173 : memref<10112x128xf32, #tpu.memory_space<vmem_shared>>) offsets(%dma_start3A_170 : memref<128xi32, #tpu.memory_space<vmem>>) semaphore(%arg13 : memref<!tpu.dma_semaphore, #tpu.memory_space<semaphore_mem>>) {add = true}
      %dma_wait3A_174 = arith.constant 0 : i32
      %dma_wait3A_175 = arith.constant 1 : i32
      %dma_wait3A_176 = arith.constant 0 : i32
      %dma_wait3A_177 = tpu.memref_slice %arg6[%dma_wait3A_174, %dma_wait3A_175, %dma_wait3A_176] : memref<40x2x128xi32, #tpu.memory_space<vmem>> -> memref<1x1x128xi32, #tpu.memory_space<vmem>>
      %dma_wait3A_178 = tpu.memref_squeeze %dma_wait3A_177 : memref<1x1x128xi32, #tpu.memory_space<vmem>> -> memref<128xi32, #tpu.memory_space<vmem>>
      %dma_wait3A_179 = arith.constant 0 : i32
      %dma_wait3A_180 = arith.constant 0 : i32
      %dma_wait3A_181 = tpu.memref_slice %arg9[%dma_wait3A_179, %dma_wait3A_180] : memref<10112x128xf32, #tpu.memory_space<vmem_shared>> -> memref<10112x128xf32, #tpu.memory_space<vmem_shared>>
      tpu.wait_indirect_dma semaphore(%arg12 : memref<!tpu.dma_semaphore, #tpu.memory_space<semaphore_mem>>) src(%arg7 : memref<128x128xf32, #tpu.memory_space<vmem>>) dst(%dma_wait3A_181 : memref<10112x128xf32, #tpu.memory_space<vmem_shared>>)
      %add3A_182 = arith.constant 1 : i32
      %add3A_183 = arith.addi %sub3A_158, %add3A_182 : i32
      %dma_start3A_184 = arith.constant 0 : i32
      %dma_start3A_185 = arith.constant 0 : i32
      %dma_start3A_186 = tpu.memref_slice %arg6[%add3A_183, %dma_start3A_184, %dma_start3A_185] : memref<40x2x128xi32, #tpu.memory_space<vmem>> -> memref<1x1x128xi32, #tpu.memory_space<vmem>>
      %dma_start3A_187 = tpu.memref_squeeze %dma_start3A_186 : memref<1x1x128xi32, #tpu.memory_space<vmem>> -> memref<128xi32, #tpu.memory_space<vmem>>
      %dma_start3A_188 = arith.constant 0 : i32
      %dma_start3A_189 = arith.constant 0 : i32
      %dma_start3A_190 = tpu.memref_slice %arg2[%dma_start3A_188, %dma_start3A_189] : memref<10000x128xf32, #tpu.memory_space<hbm>> -> memref<10000x128xf32, #tpu.memory_space<hbm>>
      tpu.enqueue_indirect_dma source(%dma_start3A_190 : memref<10000x128xf32, #tpu.memory_space<hbm>>) target(%arg7 : memref<128x128xf32, #tpu.memory_space<vmem>>) offsets(%dma_start3A_187 : memref<128xi32, #tpu.memory_space<vmem>>) semaphore(%arg10 : memref<!tpu.dma_semaphore, #tpu.memory_space<semaphore_mem>>)
      %mul3A_191 = arith.constant 2 : i32
      %mul3A_192 = arith.muli %mul3A_191, %add3A_153 : i32
      %add3A_193 = arith.constant 2 : i32
      %add3A_194 = arith.addi %mul3A_192, %add3A_193 : i32
      %sub3A_195 = arith.constant 0 : i32
      %sub3A_196 = arith.subi %add3A_194, %sub3A_195 : i32
      %dma_wait3A_197 = arith.constant 0 : i32
      %dma_wait3A_198 = arith.constant 0 : i32
      %dma_wait3A_199 = arith.constant 0 : i32
      %dma_wait3A_200 = tpu.memref_slice %arg6[%dma_wait3A_197, %dma_wait3A_198, %dma_wait3A_199] : memref<40x2x128xi32, #tpu.memory_space<vmem>> -> memref<1x1x128xi32, #tpu.memory_space<vmem>>
      %dma_wait3A_201 = tpu.memref_squeeze %dma_wait3A_200 : memref<1x1x128xi32, #tpu.memory_space<vmem>> -> memref<128xi32, #tpu.memory_space<vmem>>
      %dma_wait3A_202 = arith.constant 0 : i32
      %dma_wait3A_203 = arith.constant 0 : i32
      %dma_wait3A_204 = tpu.memref_slice %arg2[%dma_wait3A_202, %dma_wait3A_203] : memref<10000x128xf32, #tpu.memory_space<hbm>> -> memref<10000x128xf32, #tpu.memory_space<hbm>>
      tpu.wait_indirect_dma semaphore(%arg10 : memref<!tpu.dma_semaphore, #tpu.memory_space<semaphore_mem>>) src(%dma_wait3A_204 : memref<10000x128xf32, #tpu.memory_space<hbm>>) dst(%arg7 : memref<128x128xf32, #tpu.memory_space<vmem>>)
      %dma_start3A_205 = arith.constant 1 : i32
      %dma_start3A_206 = arith.constant 0 : i32
      %dma_start3A_207 = tpu.memref_slice %arg6[%sub3A_196, %dma_start3A_205, %dma_start3A_206] : memref<40x2x128xi32, #tpu.memory_space<vmem>> -> memref<1x1x128xi32, #tpu.memory_space<vmem>>
      %dma_start3A_208 = tpu.memref_squeeze %dma_start3A_207 : memref<1x1x128xi32, #tpu.memory_space<vmem>> -> memref<128xi32, #tpu.memory_space<vmem>>
      %dma_start3A_209 = arith.constant 0 : i32
      %dma_start3A_210 = arith.constant 0 : i32
      %dma_start3A_211 = tpu.memref_slice %arg9[%dma_start3A_209, %dma_start3A_210] : memref<10112x128xf32, #tpu.memory_space<vmem_shared>> -> memref<10112x128xf32, #tpu.memory_space<vmem_shared>>
      tpu.enqueue_indirect_dma source(%arg7 : memref<128x128xf32, #tpu.memory_space<vmem>>) target(%dma_start3A_211 : memref<10112x128xf32, #tpu.memory_space<vmem_shared>>) offsets(%dma_start3A_208 : memref<128xi32, #tpu.memory_space<vmem>>) semaphore(%arg12 : memref<!tpu.dma_semaphore, #tpu.memory_space<semaphore_mem>>) {add = true}
      %dma_wait3A_212 = arith.constant 0 : i32
      %dma_wait3A_213 = arith.constant 1 : i32
      %dma_wait3A_214 = arith.constant 0 : i32
      %dma_wait3A_215 = tpu.memref_slice %arg6[%dma_wait3A_212, %dma_wait3A_213, %dma_wait3A_214] : memref<40x2x128xi32, #tpu.memory_space<vmem>> -> memref<1x1x128xi32, #tpu.memory_space<vmem>>
      %dma_wait3A_216 = tpu.memref_squeeze %dma_wait3A_215 : memref<1x1x128xi32, #tpu.memory_space<vmem>> -> memref<128xi32, #tpu.memory_space<vmem>>
      %dma_wait3A_217 = arith.constant 0 : i32
      %dma_wait3A_218 = arith.constant 0 : i32
      %dma_wait3A_219 = tpu.memref_slice %arg9[%dma_wait3A_217, %dma_wait3A_218] : memref<10112x128xf32, #tpu.memory_space<vmem_shared>> -> memref<10112x128xf32, #tpu.memory_space<vmem_shared>>
      tpu.wait_indirect_dma semaphore(%arg13 : memref<!tpu.dma_semaphore, #tpu.memory_space<semaphore_mem>>) src(%arg8 : memref<128x128xf32, #tpu.memory_space<vmem>>) dst(%dma_wait3A_219 : memref<10112x128xf32, #tpu.memory_space<vmem_shared>>)
      %add3A_220 = arith.constant 1 : i32
      %add3A_221 = arith.addi %sub3A_196, %add3A_220 : i32
      %dma_start3A_222 = arith.constant 0 : i32
      %dma_start3A_223 = arith.constant 0 : i32
      %dma_start3A_224 = tpu.memref_slice %arg6[%add3A_221, %dma_start3A_222, %dma_start3A_223] : memref<40x2x128xi32, #tpu.memory_space<vmem>> -> memref<1x1x128xi32, #tpu.memory_space<vmem>>
      %dma_start3A_225 = tpu.memref_squeeze %dma_start3A_224 : memref<1x1x128xi32, #tpu.memory_space<vmem>> -> memref<128xi32, #tpu.memory_space<vmem>>
      %dma_start3A_226 = arith.constant 0 : i32
      %dma_start3A_227 = arith.constant 0 : i32
      %dma_start3A_228 = tpu.memref_slice %arg2[%dma_start3A_226, %dma_start3A_227] : memref<10000x128xf32, #tpu.memory_space<hbm>> -> memref<10000x128xf32, #tpu.memory_space<hbm>>
      tpu.enqueue_indirect_dma source(%dma_start3A_228 : memref<10000x128xf32, #tpu.memory_space<hbm>>) target(%arg8 : memref<128x128xf32, #tpu.memory_space<vmem>>) offsets(%dma_start3A_225 : memref<128xi32, #tpu.memory_space<vmem>>) semaphore(%arg11 : memref<!tpu.dma_semaphore, #tpu.memory_space<semaphore_mem>>)
    }
    %scan3A_111 = arith.constant 19 : i32
    %dma_wait3A_112 = arith.constant 0 : i32
    %dma_wait3A_113 = arith.constant 0 : i32
    %dma_wait3A_114 = arith.constant 0 : i32
    %dma_wait3A_115 = tpu.memref_slice %arg6[%dma_wait3A_112, %dma_wait3A_113, %dma_wait3A_114] : memref<40x2x128xi32, #tpu.memory_space<vmem>> -> memref<1x1x128xi32, #tpu.memory_space<vmem>>
    %dma_wait3A_116 = tpu.memref_squeeze %dma_wait3A_115 : memref<1x1x128xi32, #tpu.memory_space<vmem>> -> memref<128xi32, #tpu.memory_space<vmem>>
    %dma_wait3A_117 = arith.constant 0 : i32
    %dma_wait3A_118 = arith.constant 0 : i32
    %dma_wait3A_119 = tpu.memref_slice %arg2[%dma_wait3A_117, %dma_wait3A_118] : memref<10000x128xf32, #tpu.memory_space<hbm>> -> memref<10000x128xf32, #tpu.memory_space<hbm>>
    tpu.wait_indirect_dma semaphore(%arg11 : memref<!tpu.dma_semaphore, #tpu.memory_space<semaphore_mem>>) src(%dma_wait3A_119 : memref<10000x128xf32, #tpu.memory_space<hbm>>) dst(%arg8 : memref<128x128xf32, #tpu.memory_space<vmem>>)
    %dma_start3A_120 = arith.constant 39 : i32
    %dma_start3A_121 = arith.constant 1 : i32
    %dma_start3A_122 = arith.constant 0 : i32
    %dma_start3A_123 = tpu.memref_slice %arg6[%dma_start3A_120, %dma_start3A_121, %dma_start3A_122] : memref<40x2x128xi32, #tpu.memory_space<vmem>> -> memref<1x1x128xi32, #tpu.memory_space<vmem>>
    %dma_start3A_124 = tpu.memref_squeeze %dma_start3A_123 : memref<1x1x128xi32, #tpu.memory_space<vmem>> -> memref<128xi32, #tpu.memory_space<vmem>>
    %dma_start3A_125 = arith.constant 0 : i32
    %dma_start3A_126 = arith.constant 0 : i32
    %dma_start3A_127 = tpu.memref_slice %arg9[%dma_start3A_125, %dma_start3A_126] : memref<10112x128xf32, #tpu.memory_space<vmem_shared>> -> memref<10112x128xf32, #tpu.memory_space<vmem_shared>>
    tpu.enqueue_indirect_dma source(%arg8 : memref<128x128xf32, #tpu.memory_space<vmem>>) target(%dma_start3A_127 : memref<10112x128xf32, #tpu.memory_space<vmem_shared>>) offsets(%dma_start3A_124 : memref<128xi32, #tpu.memory_space<vmem>>) semaphore(%arg13 : memref<!tpu.dma_semaphore, #tpu.memory_space<semaphore_mem>>) {add = true}
    %dma_wait3A_128 = arith.constant 0 : i32
    %dma_wait3A_129 = arith.constant 1 : i32
    %dma_wait3A_130 = arith.constant 0 : i32
    %dma_wait3A_131 = tpu.memref_slice %arg6[%dma_wait3A_128, %dma_wait3A_129, %dma_wait3A_130] : memref<40x2x128xi32, #tpu.memory_space<vmem>> -> memref<1x1x128xi32, #tpu.memory_space<vmem>>
    %dma_wait3A_132 = tpu.memref_squeeze %dma_wait3A_131 : memref<1x1x128xi32, #tpu.memory_space<vmem>> -> memref<128xi32, #tpu.memory_space<vmem>>
    %dma_wait3A_133 = arith.constant 0 : i32
    %dma_wait3A_134 = arith.constant 0 : i32
    %dma_wait3A_135 = tpu.memref_slice %arg9[%dma_wait3A_133, %dma_wait3A_134] : memref<10112x128xf32, #tpu.memory_space<vmem_shared>> -> memref<10112x128xf32, #tpu.memory_space<vmem_shared>>
    tpu.wait_indirect_dma semaphore(%arg12 : memref<!tpu.dma_semaphore, #tpu.memory_space<semaphore_mem>>) src(%arg7 : memref<128x128xf32, #tpu.memory_space<vmem>>) dst(%dma_wait3A_135 : memref<10112x128xf32, #tpu.memory_space<vmem_shared>>)
    %dma_wait3A_136 = arith.constant 0 : i32
    %dma_wait3A_137 = arith.constant 1 : i32
    %dma_wait3A_138 = arith.constant 0 : i32
    %dma_wait3A_139 = tpu.memref_slice %arg6[%dma_wait3A_136, %dma_wait3A_137, %dma_wait3A_138] : memref<40x2x128xi32, #tpu.memory_space<vmem>> -> memref<1x1x128xi32, #tpu.memory_space<vmem>>
    %dma_wait3A_140 = tpu.memref_squeeze %dma_wait3A_139 : memref<1x1x128xi32, #tpu.memory_space<vmem>> -> memref<128xi32, #tpu.memory_space<vmem>>
    %dma_wait3A_141 = arith.constant 0 : i32
    %dma_wait3A_142 = arith.constant 0 : i32
    %dma_wait3A_143 = tpu.memref_slice %arg9[%dma_wait3A_141, %dma_wait3A_142] : memref<10112x128xf32, #tpu.memory_space<vmem_shared>> -> memref<10112x128xf32, #tpu.memory_space<vmem_shared>>
    tpu.wait_indirect_dma semaphore(%arg13 : memref<!tpu.dma_semaphore, #tpu.memory_space<semaphore_mem>>) src(%arg8 : memref<128x128xf32, #tpu.memory_space<vmem>>) dst(%dma_wait3A_143 : memref<10112x128xf32, #tpu.memory_space<vmem_shared>>)
    %barrier3A_144 = arith.constant 0 : index
    tpu.barrier barrier_id(%barrier3A_144)
    "tpu.trace_stop"() : () -> ()
    "tpu.trace_start"() <{level = 10 : i32, message = "agg_out"}> : () -> ()
    %mul3A_145 = arith.constant 632 : i32
    %mul3A_146 = arith.muli %arg1, %mul3A_145 : i32
    %mul3A_147 = arith.constant 632 : i32
    %mul3A_148 = arith.muli %arg1, %mul3A_147 : i32
    "tpu.region"() ({
      %run_scoped3A = tpu.sem_alloc : memref<!tpu.dma_semaphore, #tpu.memory_space<semaphore_mem>>
      %dma_start3A_149 = arith.constant 0 : i32
      %dma_start3A_150 = tpu.memref_slice %arg5[%arg0, %mul3A_148, %dma_start3A_149] : memref<2x10112x128xf32, #tpu.memory_space<hbm>> -> memref<1x632x128xf32, #tpu.memory_space<hbm>>
      %dma_start3A_151 = tpu.memref_squeeze %dma_start3A_150 : memref<1x632x128xf32, #tpu.memory_space<hbm>> -> memref<632x128xf32, #tpu.memory_space<hbm>>
      %dma_start3A_152 = arith.constant 0 : i32
      %dma_start3A_153 = tpu.memref_slice %arg9[%mul3A_146, %dma_start3A_152] : memref<10112x128xf32, #tpu.memory_space<vmem_shared>> -> memref<632x128xf32, #tpu.memory_space<vmem_shared>>
      tpu.enqueue_dma source(%dma_start3A_153 : memref<632x128xf32, #tpu.memory_space<vmem_shared>>) target(%dma_start3A_151 : memref<632x128xf32, #tpu.memory_space<hbm>>) target_semaphore(%run_scoped3A : memref<!tpu.dma_semaphore, #tpu.memory_space<semaphore_mem>>)
      %dma_wait3A_154 = arith.constant 0 : i32
      %dma_wait3A_155 = tpu.memref_slice %arg5[%arg0, %mul3A_148, %dma_wait3A_154] : memref<2x10112x128xf32, #tpu.memory_space<hbm>> -> memref<1x632x128xf32, #tpu.memory_space<hbm>>
      %dma_wait3A_156 = tpu.memref_squeeze %dma_wait3A_155 : memref<1x632x128xf32, #tpu.memory_space<hbm>> -> memref<632x128xf32, #tpu.memory_space<hbm>>
      %dma_wait3A_157 = arith.constant 0 : i32
      %dma_wait3A_158 = tpu.memref_slice %arg9[%mul3A_146, %dma_wait3A_157] : memref<10112x128xf32, #tpu.memory_space<vmem_shared>> -> memref<632x128xf32, #tpu.memory_space<vmem_shared>>
      tpu.wait_dma2 semaphore(%run_scoped3A : memref<!tpu.dma_semaphore, #tpu.memory_space<semaphore_mem>>) src(%dma_wait3A_158 : memref<632x128xf32, #tpu.memory_space<vmem_shared>>) dst(%dma_wait3A_156 : memref<632x128xf32, #tpu.memory_space<hbm>>)
      tpu.yield
    }) : () -> ()
    "tpu.trace_stop"() : () -> ()
    return
  }
}

#map = affine_map<(d0, d1) -> (0, 0, 0)>
#map1 = affine_map<(d0, d1) -> (0)>
#map2 = affine_map<(d0, d1) -> (0, 0)>
module attributes {stable_mosaic.version = 14 : i64} {
  func.func @sc_degree(%arg0: i32, %arg1: i32, %arg2: memref<2560x2x128xi32, #tpu.memory_space<hbm>>, %arg3: memref<640xf32, #tpu.memory_space<hbm>>, %arg4: memref<128xf32, #tpu.memory_space<hbm>>, %arg5: memref<2x10240xf32, #tpu.memory_space<hbm>>, %arg6: memref<80x2x128xi32, #tpu.memory_space<vmem>>, %arg7: memref<128xf32, #tpu.memory_space<vmem>>, %arg8: memref<10240xf32, #tpu.memory_space<vmem_shared>>) attributes {dimension_semantics = [#tpu.dimension_semantics<core_parallel>, #tpu.dimension_semantics<subcore_parallel>], iteration_bounds = array<i64: 2, 16>, scalar_prefetch = 0 : i64, scratch_operands = 3 : i64, tpu.core_type = #tpu.core_type<sc_vector_subcore>, window_params = [{transform_indices = #map}, {transform_indices = #map1}, {transform_indices = #map1}, {transform_indices = #map2}]} {
    %mul3A = arith.constant 2 : i32
    %mul3A_0 = arith.muli %arg1, %mul3A : i32
    %add3A = arith.addi %mul3A_0, %arg0 : i32
    %mul3A_1 = arith.constant 80 : i32
    %mul3A_2 = arith.muli %add3A, %mul3A_1 : i32
    "tpu.region"() ({
      %run_scoped3A = tpu.sem_alloc : memref<!tpu.dma_semaphore, #tpu.memory_space<semaphore_mem>>
      %dma_start3A = arith.constant 0 : i32
      %dma_start3A_14 = arith.constant 0 : i32
      %dma_start3A_15 = tpu.memref_slice %arg2[%mul3A_2, %dma_start3A, %dma_start3A_14] : memref<2560x2x128xi32, #tpu.memory_space<hbm>> -> memref<80x2x128xi32, #tpu.memory_space<hbm>>
      %dma_start3A_16 = arith.constant 0 : i32
      %dma_start3A_17 = arith.constant 0 : i32
      %dma_start3A_18 = tpu.memref_slice %arg2[%mul3A_2, %dma_start3A_16, %dma_start3A_17] : memref<2560x2x128xi32, #tpu.memory_space<hbm>> -> memref<80x2x128xi32, #tpu.memory_space<hbm>>
      tpu.enqueue_dma source(%dma_start3A_18 : memref<80x2x128xi32, #tpu.memory_space<hbm>>) target(%arg6 : memref<80x2x128xi32, #tpu.memory_space<vmem>>) target_semaphore(%run_scoped3A : memref<!tpu.dma_semaphore, #tpu.memory_space<semaphore_mem>>)
      %dma_wait3A = arith.constant 0 : i32
      %dma_wait3A_19 = arith.constant 0 : i32
      %dma_wait3A_20 = tpu.memref_slice %arg2[%mul3A_2, %dma_wait3A, %dma_wait3A_19] : memref<2560x2x128xi32, #tpu.memory_space<hbm>> -> memref<80x2x128xi32, #tpu.memory_space<hbm>>
      %dma_wait3A_21 = arith.constant 0 : i32
      %dma_wait3A_22 = arith.constant 0 : i32
      %dma_wait3A_23 = tpu.memref_slice %arg2[%mul3A_2, %dma_wait3A_21, %dma_wait3A_22] : memref<2560x2x128xi32, #tpu.memory_space<hbm>> -> memref<80x2x128xi32, #tpu.memory_space<hbm>>
      tpu.wait_dma2 semaphore(%run_scoped3A : memref<!tpu.dma_semaphore, #tpu.memory_space<semaphore_mem>>) src(%dma_wait3A_23 : memref<80x2x128xi32, #tpu.memory_space<hbm>>) dst(%arg6 : memref<80x2x128xi32, #tpu.memory_space<vmem>>)
      tpu.yield
    }) : () -> ()
    "tpu.region"() ({
      %run_scoped3A = tpu.sem_alloc : memref<!tpu.dma_semaphore, #tpu.memory_space<semaphore_mem>>
      tpu.enqueue_dma source(%arg4 : memref<128xf32, #tpu.memory_space<hbm>>) target(%arg7 : memref<128xf32, #tpu.memory_space<vmem>>) target_semaphore(%run_scoped3A : memref<!tpu.dma_semaphore, #tpu.memory_space<semaphore_mem>>)
      tpu.wait_dma2 semaphore(%run_scoped3A : memref<!tpu.dma_semaphore, #tpu.memory_space<semaphore_mem>>) src(%arg4 : memref<128xf32, #tpu.memory_space<hbm>>) dst(%arg7 : memref<128xf32, #tpu.memory_space<vmem>>)
      tpu.yield
    }) : () -> ()
    %mul3A_3 = arith.constant 640 : i32
    %mul3A_4 = arith.muli %arg1, %mul3A_3 : i32
    "tpu.region"() ({
      %run_scoped3A = tpu.sem_alloc : memref<!tpu.dma_semaphore, #tpu.memory_space<semaphore_mem>>
      %dma_start3A = tpu.memref_slice %arg8[%mul3A_4] : memref<10240xf32, #tpu.memory_space<vmem_shared>> -> memref<640xf32, #tpu.memory_space<vmem_shared>>
      tpu.enqueue_dma source(%arg3 : memref<640xf32, #tpu.memory_space<hbm>>) target(%dma_start3A : memref<640xf32, #tpu.memory_space<vmem_shared>>) target_semaphore(%run_scoped3A : memref<!tpu.dma_semaphore, #tpu.memory_space<semaphore_mem>>)
      %dma_wait3A = tpu.memref_slice %arg8[%mul3A_4] : memref<10240xf32, #tpu.memory_space<vmem_shared>> -> memref<640xf32, #tpu.memory_space<vmem_shared>>
      tpu.wait_dma2 semaphore(%run_scoped3A : memref<!tpu.dma_semaphore, #tpu.memory_space<semaphore_mem>>) src(%arg3 : memref<640xf32, #tpu.memory_space<hbm>>) dst(%dma_wait3A : memref<640xf32, #tpu.memory_space<vmem_shared>>)
      tpu.yield
    }) : () -> ()
    %barrier3A = arith.constant 0 : index
    tpu.barrier barrier_id(%barrier3A)
    %scan3A = arith.constant 0 : i32
    %scan3A_5 = arith.constant 80 : i32
    %scan3A_6 = arith.addi %scan3A, %scan3A_5 : i32
    %scan3A_7 = arith.constant 1 : i32
    scf.for %scan3A_14 = %scan3A to %scan3A_6 step %scan3A_7  : i32 {
      %mul3A_15 = arith.constant 1 : i32
      %mul3A_16 = arith.muli %scan3A_14, %mul3A_15 : i32
      %add3A_17 = arith.constant 0 : i32
      %add3A_18 = arith.addi %add3A_17, %mul3A_16 : i32
      %run_scoped3A = arith.constant 1 : i32
      "tpu.region"() ({
        %run_scoped3A_19 = tpu.sem_alloc : memref<!tpu.dma_semaphore, #tpu.memory_space<semaphore_mem>>
        %dma_start3A = arith.constant 0 : i32
        %dma_start3A_20 = tpu.memref_slice %arg6[%add3A_18, %run_scoped3A, %dma_start3A] : memref<80x2x128xi32, #tpu.memory_space<vmem>> -> memref<1x1x128xi32, #tpu.memory_space<vmem>>
        %dma_start3A_21 = tpu.memref_squeeze %dma_start3A_20 : memref<1x1x128xi32, #tpu.memory_space<vmem>> -> memref<128xi32, #tpu.memory_space<vmem>>
        %dma_start3A_22 = arith.constant 0 : i32
        %dma_start3A_23 = tpu.memref_slice %arg8[%dma_start3A_22] : memref<10240xf32, #tpu.memory_space<vmem_shared>> -> memref<10240xf32, #tpu.memory_space<vmem_shared>>
        tpu.enqueue_indirect_dma source(%arg7 : memref<128xf32, #tpu.memory_space<vmem>>) target(%dma_start3A_23 : memref<10240xf32, #tpu.memory_space<vmem_shared>>) offsets(%dma_start3A_21 : memref<128xi32, #tpu.memory_space<vmem>>) semaphore(%run_scoped3A_19 : memref<!tpu.dma_semaphore, #tpu.memory_space<semaphore_mem>>) {add = true}
        %dma_wait3A = arith.constant 0 : i32
        %dma_wait3A_24 = tpu.memref_slice %arg6[%add3A_18, %run_scoped3A, %dma_wait3A] : memref<80x2x128xi32, #tpu.memory_space<vmem>> -> memref<1x1x128xi32, #tpu.memory_space<vmem>>
        %dma_wait3A_25 = tpu.memref_squeeze %dma_wait3A_24 : memref<1x1x128xi32, #tpu.memory_space<vmem>> -> memref<128xi32, #tpu.memory_space<vmem>>
        %dma_wait3A_26 = arith.constant 0 : i32
        %dma_wait3A_27 = tpu.memref_slice %arg8[%dma_wait3A_26] : memref<10240xf32, #tpu.memory_space<vmem_shared>> -> memref<10240xf32, #tpu.memory_space<vmem_shared>>
        tpu.wait_indirect_dma semaphore(%run_scoped3A_19 : memref<!tpu.dma_semaphore, #tpu.memory_space<semaphore_mem>>) src(%arg7 : memref<128xf32, #tpu.memory_space<vmem>>) dst(%dma_wait3A_27 : memref<10240xf32, #tpu.memory_space<vmem_shared>>)
        tpu.yield
      }) : () -> ()
    }
    %scan3A_8 = arith.constant 80 : i32
    %barrier3A_9 = arith.constant 0 : index
    tpu.barrier barrier_id(%barrier3A_9)
    %mul3A_10 = arith.constant 640 : i32
    %mul3A_11 = arith.muli %arg1, %mul3A_10 : i32
    %mul3A_12 = arith.constant 640 : i32
    %mul3A_13 = arith.muli %arg1, %mul3A_12 : i32
    "tpu.region"() ({
      %run_scoped3A = tpu.sem_alloc : memref<!tpu.dma_semaphore, #tpu.memory_space<semaphore_mem>>
      %dma_start3A = tpu.memref_slice %arg5[%arg0, %mul3A_13] : memref<2x10240xf32, #tpu.memory_space<hbm>> -> memref<1x640xf32, #tpu.memory_space<hbm>>
      %dma_start3A_14 = tpu.memref_squeeze %dma_start3A : memref<1x640xf32, #tpu.memory_space<hbm>> -> memref<640xf32, #tpu.memory_space<hbm>>
      %dma_start3A_15 = tpu.memref_slice %arg8[%mul3A_11] : memref<10240xf32, #tpu.memory_space<vmem_shared>> -> memref<640xf32, #tpu.memory_space<vmem_shared>>
      tpu.enqueue_dma source(%dma_start3A_15 : memref<640xf32, #tpu.memory_space<vmem_shared>>) target(%dma_start3A_14 : memref<640xf32, #tpu.memory_space<hbm>>) target_semaphore(%run_scoped3A : memref<!tpu.dma_semaphore, #tpu.memory_space<semaphore_mem>>)
      %dma_wait3A = tpu.memref_slice %arg5[%arg0, %mul3A_13] : memref<2x10240xf32, #tpu.memory_space<hbm>> -> memref<1x640xf32, #tpu.memory_space<hbm>>
      %dma_wait3A_16 = tpu.memref_squeeze %dma_wait3A : memref<1x640xf32, #tpu.memory_space<hbm>> -> memref<640xf32, #tpu.memory_space<hbm>>
      %dma_wait3A_17 = tpu.memref_slice %arg8[%mul3A_11] : memref<10240xf32, #tpu.memory_space<vmem_shared>> -> memref<640xf32, #tpu.memory_space<vmem_shared>>
      tpu.wait_dma2 semaphore(%run_scoped3A : memref<!tpu.dma_semaphore, #tpu.memory_space<semaphore_mem>>) src(%dma_wait3A_17 : memref<640xf32, #tpu.memory_space<vmem_shared>>) dst(%dma_wait3A_16 : memref<640xf32, #tpu.memory_space<hbm>>)
      tpu.yield
    }) : () -> ()
    return
  }
}

#map = affine_map<(d0, d1) -> (0, 0)>
#map1 = affine_map<(d0, d1) -> (0, 0, 0)>
module attributes {stable_mosaic.version = 14 : i64} {
  func.func @sc_aggregate(%arg0: i32, %arg1: i32, %arg2: memref<10000x128xf32, #tpu.memory_space<hbm>>, %arg3: memref<2560x2x128xi32, #tpu.memory_space<hbm>>, %arg4: memref<632x128xf32, #tpu.memory_space<hbm>>, %arg5: memref<2x10112x128xf32, #tpu.memory_space<hbm>>, %arg6: memref<40x2x128xi32, #tpu.memory_space<vmem>>, %arg7: memref<128x128xf32, #tpu.memory_space<vmem>>, %arg8: memref<128x128xf32, #tpu.memory_space<vmem>>, %arg9: memref<10112x128xf32, #tpu.memory_space<vmem_shared>>, %arg10: memref<!tpu.dma_semaphore, #tpu.memory_space<semaphore_mem>>, %arg11: memref<!tpu.dma_semaphore, #tpu.memory_space<semaphore_mem>>, %arg12: memref<!tpu.dma_semaphore, #tpu.memory_space<semaphore_mem>>, %arg13: memref<!tpu.dma_semaphore, #tpu.memory_space<semaphore_mem>>) attributes {dimension_semantics = [#tpu.dimension_semantics<core_parallel>, #tpu.dimension_semantics<subcore_parallel>], iteration_bounds = array<i64: 2, 16>, scalar_prefetch = 0 : i64, scratch_operands = 8 : i64, tpu.core_type = #tpu.core_type<sc_vector_subcore>, window_params = [{transform_indices = #map}, {transform_indices = #map1}, {transform_indices = #map}, {transform_indices = #map1}]} {
    "tpu.trace_start"() <{level = 10 : i32, message = "agg_zero"}> : () -> ()
    %mul3A = arith.constant 632 : i32
    %mul3A_0 = arith.muli %arg1, %mul3A : i32
    "tpu.region"() ({
      %run_scoped3A = tpu.sem_alloc : memref<!tpu.dma_semaphore, #tpu.memory_space<semaphore_mem>>
      %dma_start3A_149 = arith.constant 0 : i32
      %dma_start3A_150 = tpu.memref_slice %arg9[%mul3A_0, %dma_start3A_149] : memref<10112x128xf32, #tpu.memory_space<vmem_shared>> -> memref<632x128xf32, #tpu.memory_space<vmem_shared>>
      tpu.enqueue_dma source(%arg4 : memref<632x128xf32, #tpu.memory_space<hbm>>) target(%dma_start3A_150 : memref<632x128xf32, #tpu.memory_space<vmem_shared>>) target_semaphore(%run_scoped3A : memref<!tpu.dma_semaphore, #tpu.memory_space<semaphore_mem>>)
      %dma_wait3A_151 = arith.constant 0 : i32
      %dma_wait3A_152 = tpu.memref_slice %arg9[%mul3A_0, %dma_wait3A_151] : memref<10112x128xf32, #tpu.memory_space<vmem_shared>> -> memref<632x128xf32, #tpu.memory_space<vmem_shared>>
      tpu.wait_dma2 semaphore(%run_scoped3A : memref<!tpu.dma_semaphore, #tpu.memory_space<semaphore_mem>>) src(%arg4 : memref<632x128xf32, #tpu.memory_space<hbm>>) dst(%dma_wait3A_152 : memref<632x128xf32, #tpu.memory_space<vmem_shared>>)
      tpu.yield
    }) : () -> ()
    %barrier3A = arith.constant 0 : index
    tpu.barrier barrier_id(%barrier3A)
    "tpu.trace_stop"() : () -> ()
    "tpu.trace_start"() <{level = 10 : i32, message = "agg_edges"}> : () -> ()
    %mul3A_1 = arith.constant 2 : i32
    %mul3A_2 = arith.muli %arg1, %mul3A_1 : i32
    %add3A = arith.addi %mul3A_2, %arg0 : i32
    %mul3A_3 = arith.constant 80 : i32
    %mul3A_4 = arith.muli %add3A, %mul3A_3 : i32
    %add3A_5 = arith.constant 0 : i32
    %add3A_6 = arith.addi %mul3A_4, %add3A_5 : i32
    "tpu.region"() ({
      %run_scoped3A = tpu.sem_alloc : memref<!tpu.dma_semaphore, #tpu.memory_space<semaphore_mem>>
      %dma_start3A_149 = arith.constant 0 : i32
      %dma_start3A_150 = arith.constant 0 : i32
      %dma_start3A_151 = arith.constant 0 : i32
      %dma_start3A_152 = tpu.memref_slice %arg6[%dma_start3A_149, %dma_start3A_150, %dma_start3A_151] : memref<40x2x128xi32, #tpu.memory_space<vmem>> -> memref<40x2x128xi32, #tpu.memory_space<vmem>>
      %dma_start3A_153 = arith.constant 0 : i32
      %dma_start3A_154 = arith.constant 0 : i32
      %dma_start3A_155 = tpu.memref_slice %arg3[%add3A_6, %dma_start3A_153, %dma_start3A_154] : memref<2560x2x128xi32, #tpu.memory_space<hbm>> -> memref<40x2x128xi32, #tpu.memory_space<hbm>>
      %dma_start3A_156 = arith.constant 0 : i32
      %dma_start3A_157 = arith.constant 0 : i32
      %dma_start3A_158 = arith.constant 0 : i32
      %dma_start3A_159 = tpu.memref_slice %arg6[%dma_start3A_156, %dma_start3A_157, %dma_start3A_158] : memref<40x2x128xi32, #tpu.memory_space<vmem>> -> memref<40x2x128xi32, #tpu.memory_space<vmem>>
      %dma_start3A_160 = arith.constant 0 : i32
      %dma_start3A_161 = arith.constant 0 : i32
      %dma_start3A_162 = tpu.memref_slice %arg3[%add3A_6, %dma_start3A_160, %dma_start3A_161] : memref<2560x2x128xi32, #tpu.memory_space<hbm>> -> memref<40x2x128xi32, #tpu.memory_space<hbm>>
      tpu.enqueue_dma source(%dma_start3A_162 : memref<40x2x128xi32, #tpu.memory_space<hbm>>) target(%dma_start3A_159 : memref<40x2x128xi32, #tpu.memory_space<vmem>>) target_semaphore(%run_scoped3A : memref<!tpu.dma_semaphore, #tpu.memory_space<semaphore_mem>>)
      %dma_wait3A_163 = arith.constant 0 : i32
      %dma_wait3A_164 = arith.constant 0 : i32
      %dma_wait3A_165 = arith.constant 0 : i32
      %dma_wait3A_166 = tpu.memref_slice %arg6[%dma_wait3A_163, %dma_wait3A_164, %dma_wait3A_165] : memref<40x2x128xi32, #tpu.memory_space<vmem>> -> memref<40x2x128xi32, #tpu.memory_space<vmem>>
      %dma_wait3A_167 = arith.constant 0 : i32
      %dma_wait3A_168 = arith.constant 0 : i32
      %dma_wait3A_169 = tpu.memref_slice %arg3[%add3A_6, %dma_wait3A_167, %dma_wait3A_168] : memref<2560x2x128xi32, #tpu.memory_space<hbm>> -> memref<40x2x128xi32, #tpu.memory_space<hbm>>
      %dma_wait3A_170 = arith.constant 0 : i32
      %dma_wait3A_171 = arith.constant 0 : i32
      %dma_wait3A_172 = arith.constant 0 : i32
      %dma_wait3A_173 = tpu.memref_slice %arg6[%dma_wait3A_170, %dma_wait3A_171, %dma_wait3A_172] : memref<40x2x128xi32, #tpu.memory_space<vmem>> -> memref<40x2x128xi32, #tpu.memory_space<vmem>>
      %dma_wait3A_174 = arith.constant 0 : i32
      %dma_wait3A_175 = arith.constant 0 : i32
      %dma_wait3A_176 = tpu.memref_slice %arg3[%add3A_6, %dma_wait3A_174, %dma_wait3A_175] : memref<2560x2x128xi32, #tpu.memory_space<hbm>> -> memref<40x2x128xi32, #tpu.memory_space<hbm>>
      tpu.wait_dma2 semaphore(%run_scoped3A : memref<!tpu.dma_semaphore, #tpu.memory_space<semaphore_mem>>) src(%dma_wait3A_176 : memref<40x2x128xi32, #tpu.memory_space<hbm>>) dst(%dma_wait3A_173 : memref<40x2x128xi32, #tpu.memory_space<vmem>>)
      tpu.yield
    }) : () -> ()
    %dma_start3A = arith.constant 0 : i32
    %dma_start3A_7 = arith.constant 0 : i32
    %dma_start3A_8 = arith.constant 0 : i32
    %dma_start3A_9 = tpu.memref_slice %arg6[%dma_start3A, %dma_start3A_7, %dma_start3A_8] : memref<40x2x128xi32, #tpu.memory_space<vmem>> -> memref<1x1x128xi32, #tpu.memory_space<vmem>>
    %dma_start3A_10 = tpu.memref_squeeze %dma_start3A_9 : memref<1x1x128xi32, #tpu.memory_space<vmem>> -> memref<128xi32, #tpu.memory_space<vmem>>
    %dma_start3A_11 = arith.constant 0 : i32
    %dma_start3A_12 = arith.constant 0 : i32
    %dma_start3A_13 = tpu.memref_slice %arg2[%dma_start3A_11, %dma_start3A_12] : memref<10000x128xf32, #tpu.memory_space<hbm>> -> memref<10000x128xf32, #tpu.memory_space<hbm>>
    tpu.enqueue_indirect_dma source(%dma_start3A_13 : memref<10000x128xf32, #tpu.memory_space<hbm>>) target(%arg7 : memref<128x128xf32, #tpu.memory_space<vmem>>) offsets(%dma_start3A_10 : memref<128xi32, #tpu.memory_space<vmem>>) semaphore(%arg10 : memref<!tpu.dma_semaphore, #tpu.memory_space<semaphore_mem>>)
    %dma_wait3A = arith.constant 0 : i32
    %dma_wait3A_14 = arith.constant 0 : i32
    %dma_wait3A_15 = arith.constant 0 : i32
    %dma_wait3A_16 = tpu.memref_slice %arg6[%dma_wait3A, %dma_wait3A_14, %dma_wait3A_15] : memref<40x2x128xi32, #tpu.memory_space<vmem>> -> memref<1x1x128xi32, #tpu.memory_space<vmem>>
    %dma_wait3A_17 = tpu.memref_squeeze %dma_wait3A_16 : memref<1x1x128xi32, #tpu.memory_space<vmem>> -> memref<128xi32, #tpu.memory_space<vmem>>
    %dma_wait3A_18 = arith.constant 0 : i32
    %dma_wait3A_19 = arith.constant 0 : i32
    %dma_wait3A_20 = tpu.memref_slice %arg2[%dma_wait3A_18, %dma_wait3A_19] : memref<10000x128xf32, #tpu.memory_space<hbm>> -> memref<10000x128xf32, #tpu.memory_space<hbm>>
    tpu.wait_indirect_dma semaphore(%arg10 : memref<!tpu.dma_semaphore, #tpu.memory_space<semaphore_mem>>) src(%dma_wait3A_20 : memref<10000x128xf32, #tpu.memory_space<hbm>>) dst(%arg7 : memref<128x128xf32, #tpu.memory_space<vmem>>)
    %dma_start3A_21 = arith.constant 0 : i32
    %dma_start3A_22 = arith.constant 1 : i32
    %dma_start3A_23 = arith.constant 0 : i32
    %dma_start3A_24 = tpu.memref_slice %arg6[%dma_start3A_21, %dma_start3A_22, %dma_start3A_23] : memref<40x2x128xi32, #tpu.memory_space<vmem>> -> memref<1x1x128xi32, #tpu.memory_space<vmem>>
    %dma_start3A_25 = tpu.memref_squeeze %dma_start3A_24 : memref<1x1x128xi32, #tpu.memory_space<vmem>> -> memref<128xi32, #tpu.memory_space<vmem>>
    %dma_start3A_26 = arith.constant 0 : i32
    %dma_start3A_27 = arith.constant 0 : i32
    %dma_start3A_28 = tpu.memref_slice %arg9[%dma_start3A_26, %dma_start3A_27] : memref<10112x128xf32, #tpu.memory_space<vmem_shared>> -> memref<10112x128xf32, #tpu.memory_space<vmem_shared>>
    tpu.enqueue_indirect_dma source(%arg7 : memref<128x128xf32, #tpu.memory_space<vmem>>) target(%dma_start3A_28 : memref<10112x128xf32, #tpu.memory_space<vmem_shared>>) offsets(%dma_start3A_25 : memref<128xi32, #tpu.memory_space<vmem>>) semaphore(%arg12 : memref<!tpu.dma_semaphore, #tpu.memory_space<semaphore_mem>>) {add = true}
    %dma_start3A_29 = arith.constant 1 : i32
    %dma_start3A_30 = arith.constant 0 : i32
    %dma_start3A_31 = arith.constant 0 : i32
    %dma_start3A_32 = tpu.memref_slice %arg6[%dma_start3A_29, %dma_start3A_30, %dma_start3A_31] : memref<40x2x128xi32, #tpu.memory_space<vmem>> -> memref<1x1x128xi32, #tpu.memory_space<vmem>>
    %dma_start3A_33 = tpu.memref_squeeze %dma_start3A_32 : memref<1x1x128xi32, #tpu.memory_space<vmem>> -> memref<128xi32, #tpu.memory_space<vmem>>
    %dma_start3A_34 = arith.constant 0 : i32
    %dma_start3A_35 = arith.constant 0 : i32
    %dma_start3A_36 = tpu.memref_slice %arg2[%dma_start3A_34, %dma_start3A_35] : memref<10000x128xf32, #tpu.memory_space<hbm>> -> memref<10000x128xf32, #tpu.memory_space<hbm>>
    tpu.enqueue_indirect_dma source(%dma_start3A_36 : memref<10000x128xf32, #tpu.memory_space<hbm>>) target(%arg8 : memref<128x128xf32, #tpu.memory_space<vmem>>) offsets(%dma_start3A_33 : memref<128xi32, #tpu.memory_space<vmem>>) semaphore(%arg11 : memref<!tpu.dma_semaphore, #tpu.memory_space<semaphore_mem>>)
    %scan3A = arith.constant 0 : i32
    %scan3A_37 = arith.constant 19 : i32
    %scan3A_38 = arith.addi %scan3A, %scan3A_37 : i32
    %scan3A_39 = arith.constant 1 : i32
    scf.for %scan3A_149 = %scan3A to %scan3A_38 step %scan3A_39  : i32 {
      %mul3A_150 = arith.constant 1 : i32
      %mul3A_151 = arith.muli %scan3A_149, %mul3A_150 : i32
      %add3A_152 = arith.constant 0 : i32
      %add3A_153 = arith.addi %add3A_152, %mul3A_151 : i32
      %mul3A_154 = arith.constant 2 : i32
      %mul3A_155 = arith.muli %mul3A_154, %add3A_153 : i32
      %add3A_156 = arith.constant 2 : i32
      %add3A_157 = arith.addi %mul3A_155, %add3A_156 : i32
      %sub3A = arith.constant 1 : i32
      %sub3A_158 = arith.subi %add3A_157, %sub3A : i32
      %dma_wait3A_159 = arith.constant 0 : i32
      %dma_wait3A_160 = arith.constant 0 : i32
      %dma_wait3A_161 = arith.constant 0 : i32
      %dma_wait3A_162 = tpu.memref_slice %arg6[%dma_wait3A_159, %dma_wait3A_160, %dma_wait3A_161] : memref<40x2x128xi32, #tpu.memory_space<vmem>> -> memref<1x1x128xi32, #tpu.memory_space<vmem>>
      %dma_wait3A_163 = tpu.memref_squeeze %dma_wait3A_162 : memref<1x1x128xi32, #tpu.memory_space<vmem>> -> memref<128xi32, #tpu.memory_space<vmem>>
      %dma_wait3A_164 = arith.constant 0 : i32
      %dma_wait3A_165 = arith.constant 0 : i32
      %dma_wait3A_166 = tpu.memref_slice %arg2[%dma_wait3A_164, %dma_wait3A_165] : memref<10000x128xf32, #tpu.memory_space<hbm>> -> memref<10000x128xf32, #tpu.memory_space<hbm>>
      tpu.wait_indirect_dma semaphore(%arg11 : memref<!tpu.dma_semaphore, #tpu.memory_space<semaphore_mem>>) src(%dma_wait3A_166 : memref<10000x128xf32, #tpu.memory_space<hbm>>) dst(%arg8 : memref<128x128xf32, #tpu.memory_space<vmem>>)
      %dma_start3A_167 = arith.constant 1 : i32
      %dma_start3A_168 = arith.constant 0 : i32
      %dma_start3A_169 = tpu.memref_slice %arg6[%sub3A_158, %dma_start3A_167, %dma_start3A_168] : memref<40x2x128xi32, #tpu.memory_space<vmem>> -> memref<1x1x128xi32, #tpu.memory_space<vmem>>
      %dma_start3A_170 = tpu.memref_squeeze %dma_start3A_169 : memref<1x1x128xi32, #tpu.memory_space<vmem>> -> memref<128xi32, #tpu.memory_space<vmem>>
      %dma_start3A_171 = arith.constant 0 : i32
      %dma_start3A_172 = arith.constant 0 : i32
      %dma_start3A_173 = tpu.memref_slice %arg9[%dma_start3A_171, %dma_start3A_172] : memref<10112x128xf32, #tpu.memory_space<vmem_shared>> -> memref<10112x128xf32, #tpu.memory_space<vmem_shared>>
      tpu.enqueue_indirect_dma source(%arg8 : memref<128x128xf32, #tpu.memory_space<vmem>>) target(%dma_start3A_173 : memref<10112x128xf32, #tpu.memory_space<vmem_shared>>) offsets(%dma_start3A_170 : memref<128xi32, #tpu.memory_space<vmem>>) semaphore(%arg13 : memref<!tpu.dma_semaphore, #tpu.memory_space<semaphore_mem>>) {add = true}
      %dma_wait3A_174 = arith.constant 0 : i32
      %dma_wait3A_175 = arith.constant 1 : i32
      %dma_wait3A_176 = arith.constant 0 : i32
      %dma_wait3A_177 = tpu.memref_slice %arg6[%dma_wait3A_174, %dma_wait3A_175, %dma_wait3A_176] : memref<40x2x128xi32, #tpu.memory_space<vmem>> -> memref<1x1x128xi32, #tpu.memory_space<vmem>>
      %dma_wait3A_178 = tpu.memref_squeeze %dma_wait3A_177 : memref<1x1x128xi32, #tpu.memory_space<vmem>> -> memref<128xi32, #tpu.memory_space<vmem>>
      %dma_wait3A_179 = arith.constant 0 : i32
      %dma_wait3A_180 = arith.constant 0 : i32
      %dma_wait3A_181 = tpu.memref_slice %arg9[%dma_wait3A_179, %dma_wait3A_180] : memref<10112x128xf32, #tpu.memory_space<vmem_shared>> -> memref<10112x128xf32, #tpu.memory_space<vmem_shared>>
      tpu.wait_indirect_dma semaphore(%arg12 : memref<!tpu.dma_semaphore, #tpu.memory_space<semaphore_mem>>) src(%arg7 : memref<128x128xf32, #tpu.memory_space<vmem>>) dst(%dma_wait3A_181 : memref<10112x128xf32, #tpu.memory_space<vmem_shared>>)
      %add3A_182 = arith.constant 1 : i32
      %add3A_183 = arith.addi %sub3A_158, %add3A_182 : i32
      %dma_start3A_184 = arith.constant 0 : i32
      %dma_start3A_185 = arith.constant 0 : i32
      %dma_start3A_186 = tpu.memref_slice %arg6[%add3A_183, %dma_start3A_184, %dma_start3A_185] : memref<40x2x128xi32, #tpu.memory_space<vmem>> -> memref<1x1x128xi32, #tpu.memory_space<vmem>>
      %dma_start3A_187 = tpu.memref_squeeze %dma_start3A_186 : memref<1x1x128xi32, #tpu.memory_space<vmem>> -> memref<128xi32, #tpu.memory_space<vmem>>
      %dma_start3A_188 = arith.constant 0 : i32
      %dma_start3A_189 = arith.constant 0 : i32
      %dma_start3A_190 = tpu.memref_slice %arg2[%dma_start3A_188, %dma_start3A_189] : memref<10000x128xf32, #tpu.memory_space<hbm>> -> memref<10000x128xf32, #tpu.memory_space<hbm>>
      tpu.enqueue_indirect_dma source(%dma_start3A_190 : memref<10000x128xf32, #tpu.memory_space<hbm>>) target(%arg7 : memref<128x128xf32, #tpu.memory_space<vmem>>) offsets(%dma_start3A_187 : memref<128xi32, #tpu.memory_space<vmem>>) semaphore(%arg10 : memref<!tpu.dma_semaphore, #tpu.memory_space<semaphore_mem>>)
      %mul3A_191 = arith.constant 2 : i32
      %mul3A_192 = arith.muli %mul3A_191, %add3A_153 : i32
      %add3A_193 = arith.constant 2 : i32
      %add3A_194 = arith.addi %mul3A_192, %add3A_193 : i32
      %sub3A_195 = arith.constant 0 : i32
      %sub3A_196 = arith.subi %add3A_194, %sub3A_195 : i32
      %dma_wait3A_197 = arith.constant 0 : i32
      %dma_wait3A_198 = arith.constant 0 : i32
      %dma_wait3A_199 = arith.constant 0 : i32
      %dma_wait3A_200 = tpu.memref_slice %arg6[%dma_wait3A_197, %dma_wait3A_198, %dma_wait3A_199] : memref<40x2x128xi32, #tpu.memory_space<vmem>> -> memref<1x1x128xi32, #tpu.memory_space<vmem>>
      %dma_wait3A_201 = tpu.memref_squeeze %dma_wait3A_200 : memref<1x1x128xi32, #tpu.memory_space<vmem>> -> memref<128xi32, #tpu.memory_space<vmem>>
      %dma_wait3A_202 = arith.constant 0 : i32
      %dma_wait3A_203 = arith.constant 0 : i32
      %dma_wait3A_204 = tpu.memref_slice %arg2[%dma_wait3A_202, %dma_wait3A_203] : memref<10000x128xf32, #tpu.memory_space<hbm>> -> memref<10000x128xf32, #tpu.memory_space<hbm>>
      tpu.wait_indirect_dma semaphore(%arg10 : memref<!tpu.dma_semaphore, #tpu.memory_space<semaphore_mem>>) src(%dma_wait3A_204 : memref<10000x128xf32, #tpu.memory_space<hbm>>) dst(%arg7 : memref<128x128xf32, #tpu.memory_space<vmem>>)
      %dma_start3A_205 = arith.constant 1 : i32
      %dma_start3A_206 = arith.constant 0 : i32
      %dma_start3A_207 = tpu.memref_slice %arg6[%sub3A_196, %dma_start3A_205, %dma_start3A_206] : memref<40x2x128xi32, #tpu.memory_space<vmem>> -> memref<1x1x128xi32, #tpu.memory_space<vmem>>
      %dma_start3A_208 = tpu.memref_squeeze %dma_start3A_207 : memref<1x1x128xi32, #tpu.memory_space<vmem>> -> memref<128xi32, #tpu.memory_space<vmem>>
      %dma_start3A_209 = arith.constant 0 : i32
      %dma_start3A_210 = arith.constant 0 : i32
      %dma_start3A_211 = tpu.memref_slice %arg9[%dma_start3A_209, %dma_start3A_210] : memref<10112x128xf32, #tpu.memory_space<vmem_shared>> -> memref<10112x128xf32, #tpu.memory_space<vmem_shared>>
      tpu.enqueue_indirect_dma source(%arg7 : memref<128x128xf32, #tpu.memory_space<vmem>>) target(%dma_start3A_211 : memref<10112x128xf32, #tpu.memory_space<vmem_shared>>) offsets(%dma_start3A_208 : memref<128xi32, #tpu.memory_space<vmem>>) semaphore(%arg12 : memref<!tpu.dma_semaphore, #tpu.memory_space<semaphore_mem>>) {add = true}
      %dma_wait3A_212 = arith.constant 0 : i32
      %dma_wait3A_213 = arith.constant 1 : i32
      %dma_wait3A_214 = arith.constant 0 : i32
      %dma_wait3A_215 = tpu.memref_slice %arg6[%dma_wait3A_212, %dma_wait3A_213, %dma_wait3A_214] : memref<40x2x128xi32, #tpu.memory_space<vmem>> -> memref<1x1x128xi32, #tpu.memory_space<vmem>>
      %dma_wait3A_216 = tpu.memref_squeeze %dma_wait3A_215 : memref<1x1x128xi32, #tpu.memory_space<vmem>> -> memref<128xi32, #tpu.memory_space<vmem>>
      %dma_wait3A_217 = arith.constant 0 : i32
      %dma_wait3A_218 = arith.constant 0 : i32
      %dma_wait3A_219 = tpu.memref_slice %arg9[%dma_wait3A_217, %dma_wait3A_218] : memref<10112x128xf32, #tpu.memory_space<vmem_shared>> -> memref<10112x128xf32, #tpu.memory_space<vmem_shared>>
      tpu.wait_indirect_dma semaphore(%arg13 : memref<!tpu.dma_semaphore, #tpu.memory_space<semaphore_mem>>) src(%arg8 : memref<128x128xf32, #tpu.memory_space<vmem>>) dst(%dma_wait3A_219 : memref<10112x128xf32, #tpu.memory_space<vmem_shared>>)
      %add3A_220 = arith.constant 1 : i32
      %add3A_221 = arith.addi %sub3A_196, %add3A_220 : i32
      %dma_start3A_222 = arith.constant 0 : i32
      %dma_start3A_223 = arith.constant 0 : i32
      %dma_start3A_224 = tpu.memref_slice %arg6[%add3A_221, %dma_start3A_222, %dma_start3A_223] : memref<40x2x128xi32, #tpu.memory_space<vmem>> -> memref<1x1x128xi32, #tpu.memory_space<vmem>>
      %dma_start3A_225 = tpu.memref_squeeze %dma_start3A_224 : memref<1x1x128xi32, #tpu.memory_space<vmem>> -> memref<128xi32, #tpu.memory_space<vmem>>
      %dma_start3A_226 = arith.constant 0 : i32
      %dma_start3A_227 = arith.constant 0 : i32
      %dma_start3A_228 = tpu.memref_slice %arg2[%dma_start3A_226, %dma_start3A_227] : memref<10000x128xf32, #tpu.memory_space<hbm>> -> memref<10000x128xf32, #tpu.memory_space<hbm>>
      tpu.enqueue_indirect_dma source(%dma_start3A_228 : memref<10000x128xf32, #tpu.memory_space<hbm>>) target(%arg8 : memref<128x128xf32, #tpu.memory_space<vmem>>) offsets(%dma_start3A_225 : memref<128xi32, #tpu.memory_space<vmem>>) semaphore(%arg11 : memref<!tpu.dma_semaphore, #tpu.memory_space<semaphore_mem>>)
    }
    %scan3A_40 = arith.constant 19 : i32
    %dma_wait3A_41 = arith.constant 0 : i32
    %dma_wait3A_42 = arith.constant 0 : i32
    %dma_wait3A_43 = arith.constant 0 : i32
    %dma_wait3A_44 = tpu.memref_slice %arg6[%dma_wait3A_41, %dma_wait3A_42, %dma_wait3A_43] : memref<40x2x128xi32, #tpu.memory_space<vmem>> -> memref<1x1x128xi32, #tpu.memory_space<vmem>>
    %dma_wait3A_45 = tpu.memref_squeeze %dma_wait3A_44 : memref<1x1x128xi32, #tpu.memory_space<vmem>> -> memref<128xi32, #tpu.memory_space<vmem>>
    %dma_wait3A_46 = arith.constant 0 : i32
    %dma_wait3A_47 = arith.constant 0 : i32
    %dma_wait3A_48 = tpu.memref_slice %arg2[%dma_wait3A_46, %dma_wait3A_47] : memref<10000x128xf32, #tpu.memory_space<hbm>> -> memref<10000x128xf32, #tpu.memory_space<hbm>>
    tpu.wait_indirect_dma semaphore(%arg11 : memref<!tpu.dma_semaphore, #tpu.memory_space<semaphore_mem>>) src(%dma_wait3A_48 : memref<10000x128xf32, #tpu.memory_space<hbm>>) dst(%arg8 : memref<128x128xf32, #tpu.memory_space<vmem>>)
    %dma_start3A_49 = arith.constant 39 : i32
    %dma_start3A_50 = arith.constant 1 : i32
    %dma_start3A_51 = arith.constant 0 : i32
    %dma_start3A_52 = tpu.memref_slice %arg6[%dma_start3A_49, %dma_start3A_50, %dma_start3A_51] : memref<40x2x128xi32, #tpu.memory_space<vmem>> -> memref<1x1x128xi32, #tpu.memory_space<vmem>>
    %dma_start3A_53 = tpu.memref_squeeze %dma_start3A_52 : memref<1x1x128xi32, #tpu.memory_space<vmem>> -> memref<128xi32, #tpu.memory_space<vmem>>
    %dma_start3A_54 = arith.constant 0 : i32
    %dma_start3A_55 = arith.constant 0 : i32
    %dma_start3A_56 = tpu.memref_slice %arg9[%dma_start3A_54, %dma_start3A_55] : memref<10112x128xf32, #tpu.memory_space<vmem_shared>> -> memref<10112x128xf32, #tpu.memory_space<vmem_shared>>
    tpu.enqueue_indirect_dma source(%arg8 : memref<128x128xf32, #tpu.memory_space<vmem>>) target(%dma_start3A_56 : memref<10112x128xf32, #tpu.memory_space<vmem_shared>>) offsets(%dma_start3A_53 : memref<128xi32, #tpu.memory_space<vmem>>) semaphore(%arg13 : memref<!tpu.dma_semaphore, #tpu.memory_space<semaphore_mem>>) {add = true}
    %dma_wait3A_57 = arith.constant 0 : i32
    %dma_wait3A_58 = arith.constant 1 : i32
    %dma_wait3A_59 = arith.constant 0 : i32
    %dma_wait3A_60 = tpu.memref_slice %arg6[%dma_wait3A_57, %dma_wait3A_58, %dma_wait3A_59] : memref<40x2x128xi32, #tpu.memory_space<vmem>> -> memref<1x1x128xi32, #tpu.memory_space<vmem>>
    %dma_wait3A_61 = tpu.memref_squeeze %dma_wait3A_60 : memref<1x1x128xi32, #tpu.memory_space<vmem>> -> memref<128xi32, #tpu.memory_space<vmem>>
    %dma_wait3A_62 = arith.constant 0 : i32
    %dma_wait3A_63 = arith.constant 0 : i32
    %dma_wait3A_64 = tpu.memref_slice %arg9[%dma_wait3A_62, %dma_wait3A_63] : memref<10112x128xf32, #tpu.memory_space<vmem_shared>> -> memref<10112x128xf32, #tpu.memory_space<vmem_shared>>
    tpu.wait_indirect_dma semaphore(%arg12 : memref<!tpu.dma_semaphore, #tpu.memory_space<semaphore_mem>>) src(%arg7 : memref<128x128xf32, #tpu.memory_space<vmem>>) dst(%dma_wait3A_64 : memref<10112x128xf32, #tpu.memory_space<vmem_shared>>)
    %dma_wait3A_65 = arith.constant 0 : i32
    %dma_wait3A_66 = arith.constant 1 : i32
    %dma_wait3A_67 = arith.constant 0 : i32
    %dma_wait3A_68 = tpu.memref_slice %arg6[%dma_wait3A_65, %dma_wait3A_66, %dma_wait3A_67] : memref<40x2x128xi32, #tpu.memory_space<vmem>> -> memref<1x1x128xi32, #tpu.memory_space<vmem>>
    %dma_wait3A_69 = tpu.memref_squeeze %dma_wait3A_68 : memref<1x1x128xi32, #tpu.memory_space<vmem>> -> memref<128xi32, #tpu.memory_space<vmem>>
    %dma_wait3A_70 = arith.constant 0 : i32
    %dma_wait3A_71 = arith.constant 0 : i32
    %dma_wait3A_72 = tpu.memref_slice %arg9[%dma_wait3A_70, %dma_wait3A_71] : memref<10112x128xf32, #tpu.memory_space<vmem_shared>> -> memref<10112x128xf32, #tpu.memory_space<vmem_shared>>
    tpu.wait_indirect_dma semaphore(%arg13 : memref<!tpu.dma_semaphore, #tpu.memory_space<semaphore_mem>>) src(%arg8 : memref<128x128xf32, #tpu.memory_space<vmem>>) dst(%dma_wait3A_72 : memref<10112x128xf32, #tpu.memory_space<vmem_shared>>)
    %add3A_73 = arith.constant 40 : i32
    %add3A_74 = arith.addi %mul3A_4, %add3A_73 : i32
    "tpu.region"() ({
      %run_scoped3A = tpu.sem_alloc : memref<!tpu.dma_semaphore, #tpu.memory_space<semaphore_mem>>
      %dma_start3A_149 = arith.constant 0 : i32
      %dma_start3A_150 = arith.constant 0 : i32
      %dma_start3A_151 = arith.constant 0 : i32
      %dma_start3A_152 = tpu.memref_slice %arg6[%dma_start3A_149, %dma_start3A_150, %dma_start3A_151] : memref<40x2x128xi32, #tpu.memory_space<vmem>> -> memref<40x2x128xi32, #tpu.memory_space<vmem>>
      %dma_start3A_153 = arith.constant 0 : i32
      %dma_start3A_154 = arith.constant 0 : i32
      %dma_start3A_155 = tpu.memref_slice %arg3[%add3A_74, %dma_start3A_153, %dma_start3A_154] : memref<2560x2x128xi32, #tpu.memory_space<hbm>> -> memref<40x2x128xi32, #tpu.memory_space<hbm>>
      %dma_start3A_156 = arith.constant 0 : i32
      %dma_start3A_157 = arith.constant 0 : i32
      %dma_start3A_158 = arith.constant 0 : i32
      %dma_start3A_159 = tpu.memref_slice %arg6[%dma_start3A_156, %dma_start3A_157, %dma_start3A_158] : memref<40x2x128xi32, #tpu.memory_space<vmem>> -> memref<40x2x128xi32, #tpu.memory_space<vmem>>
      %dma_start3A_160 = arith.constant 0 : i32
      %dma_start3A_161 = arith.constant 0 : i32
      %dma_start3A_162 = tpu.memref_slice %arg3[%add3A_74, %dma_start3A_160, %dma_start3A_161] : memref<2560x2x128xi32, #tpu.memory_space<hbm>> -> memref<40x2x128xi32, #tpu.memory_space<hbm>>
      tpu.enqueue_dma source(%dma_start3A_162 : memref<40x2x128xi32, #tpu.memory_space<hbm>>) target(%dma_start3A_159 : memref<40x2x128xi32, #tpu.memory_space<vmem>>) target_semaphore(%run_scoped3A : memref<!tpu.dma_semaphore, #tpu.memory_space<semaphore_mem>>)
      %dma_wait3A_163 = arith.constant 0 : i32
      %dma_wait3A_164 = arith.constant 0 : i32
      %dma_wait3A_165 = arith.constant 0 : i32
      %dma_wait3A_166 = tpu.memref_slice %arg6[%dma_wait3A_163, %dma_wait3A_164, %dma_wait3A_165] : memref<40x2x128xi32, #tpu.memory_space<vmem>> -> memref<40x2x128xi32, #tpu.memory_space<vmem>>
      %dma_wait3A_167 = arith.constant 0 : i32
      %dma_wait3A_168 = arith.constant 0 : i32
      %dma_wait3A_169 = tpu.memref_slice %arg3[%add3A_74, %dma_wait3A_167, %dma_wait3A_168] : memref<2560x2x128xi32, #tpu.memory_space<hbm>> -> memref<40x2x128xi32, #tpu.memory_space<hbm>>
      %dma_wait3A_170 = arith.constant 0 : i32
      %dma_wait3A_171 = arith.constant 0 : i32
      %dma_wait3A_172 = arith.constant 0 : i32
      %dma_wait3A_173 = tpu.memref_slice %arg6[%dma_wait3A_170, %dma_wait3A_171, %dma_wait3A_172] : memref<40x2x128xi32, #tpu.memory_space<vmem>> -> memref<40x2x128xi32, #tpu.memory_space<vmem>>
      %dma_wait3A_174 = arith.constant 0 : i32
      %dma_wait3A_175 = arith.constant 0 : i32
      %dma_wait3A_176 = tpu.memref_slice %arg3[%add3A_74, %dma_wait3A_174, %dma_wait3A_175] : memref<2560x2x128xi32, #tpu.memory_space<hbm>> -> memref<40x2x128xi32, #tpu.memory_space<hbm>>
      tpu.wait_dma2 semaphore(%run_scoped3A : memref<!tpu.dma_semaphore, #tpu.memory_space<semaphore_mem>>) src(%dma_wait3A_176 : memref<40x2x128xi32, #tpu.memory_space<hbm>>) dst(%dma_wait3A_173 : memref<40x2x128xi32, #tpu.memory_space<vmem>>)
      tpu.yield
    }) : () -> ()
    %dma_start3A_75 = arith.constant 0 : i32
    %dma_start3A_76 = arith.constant 0 : i32
    %dma_start3A_77 = arith.constant 0 : i32
    %dma_start3A_78 = tpu.memref_slice %arg6[%dma_start3A_75, %dma_start3A_76, %dma_start3A_77] : memref<40x2x128xi32, #tpu.memory_space<vmem>> -> memref<1x1x128xi32, #tpu.memory_space<vmem>>
    %dma_start3A_79 = tpu.memref_squeeze %dma_start3A_78 : memref<1x1x128xi32, #tpu.memory_space<vmem>> -> memref<128xi32, #tpu.memory_space<vmem>>
    %dma_start3A_80 = arith.constant 0 : i32
    %dma_start3A_81 = arith.constant 0 : i32
    %dma_start3A_82 = tpu.memref_slice %arg2[%dma_start3A_80, %dma_start3A_81] : memref<10000x128xf32, #tpu.memory_space<hbm>> -> memref<10000x128xf32, #tpu.memory_space<hbm>>
    tpu.enqueue_indirect_dma source(%dma_start3A_82 : memref<10000x128xf32, #tpu.memory_space<hbm>>) target(%arg7 : memref<128x128xf32, #tpu.memory_space<vmem>>) offsets(%dma_start3A_79 : memref<128xi32, #tpu.memory_space<vmem>>) semaphore(%arg10 : memref<!tpu.dma_semaphore, #tpu.memory_space<semaphore_mem>>)
    %dma_wait3A_83 = arith.constant 0 : i32
    %dma_wait3A_84 = arith.constant 0 : i32
    %dma_wait3A_85 = arith.constant 0 : i32
    %dma_wait3A_86 = tpu.memref_slice %arg6[%dma_wait3A_83, %dma_wait3A_84, %dma_wait3A_85] : memref<40x2x128xi32, #tpu.memory_space<vmem>> -> memref<1x1x128xi32, #tpu.memory_space<vmem>>
    %dma_wait3A_87 = tpu.memref_squeeze %dma_wait3A_86 : memref<1x1x128xi32, #tpu.memory_space<vmem>> -> memref<128xi32, #tpu.memory_space<vmem>>
    %dma_wait3A_88 = arith.constant 0 : i32
    %dma_wait3A_89 = arith.constant 0 : i32
    %dma_wait3A_90 = tpu.memref_slice %arg2[%dma_wait3A_88, %dma_wait3A_89] : memref<10000x128xf32, #tpu.memory_space<hbm>> -> memref<10000x128xf32, #tpu.memory_space<hbm>>
    tpu.wait_indirect_dma semaphore(%arg10 : memref<!tpu.dma_semaphore, #tpu.memory_space<semaphore_mem>>) src(%dma_wait3A_90 : memref<10000x128xf32, #tpu.memory_space<hbm>>) dst(%arg7 : memref<128x128xf32, #tpu.memory_space<vmem>>)
    %dma_start3A_91 = arith.constant 0 : i32
    %dma_start3A_92 = arith.constant 1 : i32
    %dma_start3A_93 = arith.constant 0 : i32
    %dma_start3A_94 = tpu.memref_slice %arg6[%dma_start3A_91, %dma_start3A_92, %dma_start3A_93] : memref<40x2x128xi32, #tpu.memory_space<vmem>> -> memref<1x1x128xi32, #tpu.memory_space<vmem>>
    %dma_start3A_95 = tpu.memref_squeeze %dma_start3A_94 : memref<1x1x128xi32, #tpu.memory_space<vmem>> -> memref<128xi32, #tpu.memory_space<vmem>>
    %dma_start3A_96 = arith.constant 0 : i32
    %dma_start3A_97 = arith.constant 0 : i32
    %dma_start3A_98 = tpu.memref_slice %arg9[%dma_start3A_96, %dma_start3A_97] : memref<10112x128xf32, #tpu.memory_space<vmem_shared>> -> memref<10112x128xf32, #tpu.memory_space<vmem_shared>>
    tpu.enqueue_indirect_dma source(%arg7 : memref<128x128xf32, #tpu.memory_space<vmem>>) target(%dma_start3A_98 : memref<10112x128xf32, #tpu.memory_space<vmem_shared>>) offsets(%dma_start3A_95 : memref<128xi32, #tpu.memory_space<vmem>>) semaphore(%arg12 : memref<!tpu.dma_semaphore, #tpu.memory_space<semaphore_mem>>) {add = true}
    %dma_start3A_99 = arith.constant 1 : i32
    %dma_start3A_100 = arith.constant 0 : i32
    %dma_start3A_101 = arith.constant 0 : i32
    %dma_start3A_102 = tpu.memref_slice %arg6[%dma_start3A_99, %dma_start3A_100, %dma_start3A_101] : memref<40x2x128xi32, #tpu.memory_space<vmem>> -> memref<1x1x128xi32, #tpu.memory_space<vmem>>
    %dma_start3A_103 = tpu.memref_squeeze %dma_start3A_102 : memref<1x1x128xi32, #tpu.memory_space<vmem>> -> memref<128xi32, #tpu.memory_space<vmem>>
    %dma_start3A_104 = arith.constant 0 : i32
    %dma_start3A_105 = arith.constant 0 : i32
    %dma_start3A_106 = tpu.memref_slice %arg2[%dma_start3A_104, %dma_start3A_105] : memref<10000x128xf32, #tpu.memory_space<hbm>> -> memref<10000x128xf32, #tpu.memory_space<hbm>>
    tpu.enqueue_indirect_dma source(%dma_start3A_106 : memref<10000x128xf32, #tpu.memory_space<hbm>>) target(%arg8 : memref<128x128xf32, #tpu.memory_space<vmem>>) offsets(%dma_start3A_103 : memref<128xi32, #tpu.memory_space<vmem>>) semaphore(%arg11 : memref<!tpu.dma_semaphore, #tpu.memory_space<semaphore_mem>>)
    %scan3A_107 = arith.constant 0 : i32
    %scan3A_108 = arith.constant 19 : i32
    %scan3A_109 = arith.addi %scan3A_107, %scan3A_108 : i32
    %scan3A_110 = arith.constant 1 : i32
    scf.for %scan3A_149 = %scan3A_107 to %scan3A_109 step %scan3A_110  : i32 {
      %mul3A_150 = arith.constant 1 : i32
      %mul3A_151 = arith.muli %scan3A_149, %mul3A_150 : i32
      %add3A_152 = arith.constant 0 : i32
      %add3A_153 = arith.addi %add3A_152, %mul3A_151 : i32
      %mul3A_154 = arith.constant 2 : i32
      %mul3A_155 = arith.muli %mul3A_154, %add3A_153 : i32
      %add3A_156 = arith.constant 2 : i32
      %add3A_157 = arith.addi %mul3A_155, %add3A_156 : i32
      %sub3A = arith.constant 1 : i32
      %sub3A_158 = arith.subi %add3A_157, %sub3A : i32
      %dma_wait3A_159 = arith.constant 0 : i32
      %dma_wait3A_160 = arith.constant 0 : i32
      %dma_wait3A_161 = arith.constant 0 : i32
      %dma_wait3A_162 = tpu.memref_slice %arg6[%dma_wait3A_159, %dma_wait3A_160, %dma_wait3A_161] : memref<40x2x128xi32, #tpu.memory_space<vmem>> -> memref<1x1x128xi32, #tpu.memory_space<vmem>>
      %dma_wait3A_163 = tpu.memref_squeeze %dma_wait3A_162 : memref<1x1x128xi32, #tpu.memory_space<vmem>> -> memref<128xi32, #tpu.memory_space<vmem>>
      %dma_wait3A_164 = arith.constant 0 : i32
      %dma_wait3A_165 = arith.constant 0 : i32
      %dma_wait3A_166 = tpu.memref_slice %arg2[%dma_wait3A_164, %dma_wait3A_165] : memref<10000x128xf32, #tpu.memory_space<hbm>> -> memref<10000x128xf32, #tpu.memory_space<hbm>>
      tpu.wait_indirect_dma semaphore(%arg11 : memref<!tpu.dma_semaphore, #tpu.memory_space<semaphore_mem>>) src(%dma_wait3A_166 : memref<10000x128xf32, #tpu.memory_space<hbm>>) dst(%arg8 : memref<128x128xf32, #tpu.memory_space<vmem>>)
      %dma_start3A_167 = arith.constant 1 : i32
      %dma_start3A_168 = arith.constant 0 : i32
      %dma_start3A_169 = tpu.memref_slice %arg6[%sub3A_158, %dma_start3A_167, %dma_start3A_168] : memref<40x2x128xi32, #tpu.memory_space<vmem>> -> memref<1x1x128xi32, #tpu.memory_space<vmem>>
      %dma_start3A_170 = tpu.memref_squeeze %dma_start3A_169 : memref<1x1x128xi32, #tpu.memory_space<vmem>> -> memref<128xi32, #tpu.memory_space<vmem>>
      %dma_start3A_171 = arith.constant 0 : i32
      %dma_start3A_172 = arith.constant 0 : i32
      %dma_start3A_173 = tpu.memref_slice %arg9[%dma_start3A_171, %dma_start3A_172] : memref<10112x128xf32, #tpu.memory_space<vmem_shared>> -> memref<10112x128xf32, #tpu.memory_space<vmem_shared>>
      tpu.enqueue_indirect_dma source(%arg8 : memref<128x128xf32, #tpu.memory_space<vmem>>) target(%dma_start3A_173 : memref<10112x128xf32, #tpu.memory_space<vmem_shared>>) offsets(%dma_start3A_170 : memref<128xi32, #tpu.memory_space<vmem>>) semaphore(%arg13 : memref<!tpu.dma_semaphore, #tpu.memory_space<semaphore_mem>>) {add = true}
      %dma_wait3A_174 = arith.constant 0 : i32
      %dma_wait3A_175 = arith.constant 1 : i32
      %dma_wait3A_176 = arith.constant 0 : i32
      %dma_wait3A_177 = tpu.memref_slice %arg6[%dma_wait3A_174, %dma_wait3A_175, %dma_wait3A_176] : memref<40x2x128xi32, #tpu.memory_space<vmem>> -> memref<1x1x128xi32, #tpu.memory_space<vmem>>
      %dma_wait3A_178 = tpu.memref_squeeze %dma_wait3A_177 : memref<1x1x128xi32, #tpu.memory_space<vmem>> -> memref<128xi32, #tpu.memory_space<vmem>>
      %dma_wait3A_179 = arith.constant 0 : i32
      %dma_wait3A_180 = arith.constant 0 : i32
      %dma_wait3A_181 = tpu.memref_slice %arg9[%dma_wait3A_179, %dma_wait3A_180] : memref<10112x128xf32, #tpu.memory_space<vmem_shared>> -> memref<10112x128xf32, #tpu.memory_space<vmem_shared>>
      tpu.wait_indirect_dma semaphore(%arg12 : memref<!tpu.dma_semaphore, #tpu.memory_space<semaphore_mem>>) src(%arg7 : memref<128x128xf32, #tpu.memory_space<vmem>>) dst(%dma_wait3A_181 : memref<10112x128xf32, #tpu.memory_space<vmem_shared>>)
      %add3A_182 = arith.constant 1 : i32
      %add3A_183 = arith.addi %sub3A_158, %add3A_182 : i32
      %dma_start3A_184 = arith.constant 0 : i32
      %dma_start3A_185 = arith.constant 0 : i32
      %dma_start3A_186 = tpu.memref_slice %arg6[%add3A_183, %dma_start3A_184, %dma_start3A_185] : memref<40x2x128xi32, #tpu.memory_space<vmem>> -> memref<1x1x128xi32, #tpu.memory_space<vmem>>
      %dma_start3A_187 = tpu.memref_squeeze %dma_start3A_186 : memref<1x1x128xi32, #tpu.memory_space<vmem>> -> memref<128xi32, #tpu.memory_space<vmem>>
      %dma_start3A_188 = arith.constant 0 : i32
      %dma_start3A_189 = arith.constant 0 : i32
      %dma_start3A_190 = tpu.memref_slice %arg2[%dma_start3A_188, %dma_start3A_189] : memref<10000x128xf32, #tpu.memory_space<hbm>> -> memref<10000x128xf32, #tpu.memory_space<hbm>>
      tpu.enqueue_indirect_dma source(%dma_start3A_190 : memref<10000x128xf32, #tpu.memory_space<hbm>>) target(%arg7 : memref<128x128xf32, #tpu.memory_space<vmem>>) offsets(%dma_start3A_187 : memref<128xi32, #tpu.memory_space<vmem>>) semaphore(%arg10 : memref<!tpu.dma_semaphore, #tpu.memory_space<semaphore_mem>>)
      %mul3A_191 = arith.constant 2 : i32
      %mul3A_192 = arith.muli %mul3A_191, %add3A_153 : i32
      %add3A_193 = arith.constant 2 : i32
      %add3A_194 = arith.addi %mul3A_192, %add3A_193 : i32
      %sub3A_195 = arith.constant 0 : i32
      %sub3A_196 = arith.subi %add3A_194, %sub3A_195 : i32
      %dma_wait3A_197 = arith.constant 0 : i32
      %dma_wait3A_198 = arith.constant 0 : i32
      %dma_wait3A_199 = arith.constant 0 : i32
      %dma_wait3A_200 = tpu.memref_slice %arg6[%dma_wait3A_197, %dma_wait3A_198, %dma_wait3A_199] : memref<40x2x128xi32, #tpu.memory_space<vmem>> -> memref<1x1x128xi32, #tpu.memory_space<vmem>>
      %dma_wait3A_201 = tpu.memref_squeeze %dma_wait3A_200 : memref<1x1x128xi32, #tpu.memory_space<vmem>> -> memref<128xi32, #tpu.memory_space<vmem>>
      %dma_wait3A_202 = arith.constant 0 : i32
      %dma_wait3A_203 = arith.constant 0 : i32
      %dma_wait3A_204 = tpu.memref_slice %arg2[%dma_wait3A_202, %dma_wait3A_203] : memref<10000x128xf32, #tpu.memory_space<hbm>> -> memref<10000x128xf32, #tpu.memory_space<hbm>>
      tpu.wait_indirect_dma semaphore(%arg10 : memref<!tpu.dma_semaphore, #tpu.memory_space<semaphore_mem>>) src(%dma_wait3A_204 : memref<10000x128xf32, #tpu.memory_space<hbm>>) dst(%arg7 : memref<128x128xf32, #tpu.memory_space<vmem>>)
      %dma_start3A_205 = arith.constant 1 : i32
      %dma_start3A_206 = arith.constant 0 : i32
      %dma_start3A_207 = tpu.memref_slice %arg6[%sub3A_196, %dma_start3A_205, %dma_start3A_206] : memref<40x2x128xi32, #tpu.memory_space<vmem>> -> memref<1x1x128xi32, #tpu.memory_space<vmem>>
      %dma_start3A_208 = tpu.memref_squeeze %dma_start3A_207 : memref<1x1x128xi32, #tpu.memory_space<vmem>> -> memref<128xi32, #tpu.memory_space<vmem>>
      %dma_start3A_209 = arith.constant 0 : i32
      %dma_start3A_210 = arith.constant 0 : i32
      %dma_start3A_211 = tpu.memref_slice %arg9[%dma_start3A_209, %dma_start3A_210] : memref<10112x128xf32, #tpu.memory_space<vmem_shared>> -> memref<10112x128xf32, #tpu.memory_space<vmem_shared>>
      tpu.enqueue_indirect_dma source(%arg7 : memref<128x128xf32, #tpu.memory_space<vmem>>) target(%dma_start3A_211 : memref<10112x128xf32, #tpu.memory_space<vmem_shared>>) offsets(%dma_start3A_208 : memref<128xi32, #tpu.memory_space<vmem>>) semaphore(%arg12 : memref<!tpu.dma_semaphore, #tpu.memory_space<semaphore_mem>>) {add = true}
      %dma_wait3A_212 = arith.constant 0 : i32
      %dma_wait3A_213 = arith.constant 1 : i32
      %dma_wait3A_214 = arith.constant 0 : i32
      %dma_wait3A_215 = tpu.memref_slice %arg6[%dma_wait3A_212, %dma_wait3A_213, %dma_wait3A_214] : memref<40x2x128xi32, #tpu.memory_space<vmem>> -> memref<1x1x128xi32, #tpu.memory_space<vmem>>
      %dma_wait3A_216 = tpu.memref_squeeze %dma_wait3A_215 : memref<1x1x128xi32, #tpu.memory_space<vmem>> -> memref<128xi32, #tpu.memory_space<vmem>>
      %dma_wait3A_217 = arith.constant 0 : i32
      %dma_wait3A_218 = arith.constant 0 : i32
      %dma_wait3A_219 = tpu.memref_slice %arg9[%dma_wait3A_217, %dma_wait3A_218] : memref<10112x128xf32, #tpu.memory_space<vmem_shared>> -> memref<10112x128xf32, #tpu.memory_space<vmem_shared>>
      tpu.wait_indirect_dma semaphore(%arg13 : memref<!tpu.dma_semaphore, #tpu.memory_space<semaphore_mem>>) src(%arg8 : memref<128x128xf32, #tpu.memory_space<vmem>>) dst(%dma_wait3A_219 : memref<10112x128xf32, #tpu.memory_space<vmem_shared>>)
      %add3A_220 = arith.constant 1 : i32
      %add3A_221 = arith.addi %sub3A_196, %add3A_220 : i32
      %dma_start3A_222 = arith.constant 0 : i32
      %dma_start3A_223 = arith.constant 0 : i32
      %dma_start3A_224 = tpu.memref_slice %arg6[%add3A_221, %dma_start3A_222, %dma_start3A_223] : memref<40x2x128xi32, #tpu.memory_space<vmem>> -> memref<1x1x128xi32, #tpu.memory_space<vmem>>
      %dma_start3A_225 = tpu.memref_squeeze %dma_start3A_224 : memref<1x1x128xi32, #tpu.memory_space<vmem>> -> memref<128xi32, #tpu.memory_space<vmem>>
      %dma_start3A_226 = arith.constant 0 : i32
      %dma_start3A_227 = arith.constant 0 : i32
      %dma_start3A_228 = tpu.memref_slice %arg2[%dma_start3A_226, %dma_start3A_227] : memref<10000x128xf32, #tpu.memory_space<hbm>> -> memref<10000x128xf32, #tpu.memory_space<hbm>>
      tpu.enqueue_indirect_dma source(%dma_start3A_228 : memref<10000x128xf32, #tpu.memory_space<hbm>>) target(%arg8 : memref<128x128xf32, #tpu.memory_space<vmem>>) offsets(%dma_start3A_225 : memref<128xi32, #tpu.memory_space<vmem>>) semaphore(%arg11 : memref<!tpu.dma_semaphore, #tpu.memory_space<semaphore_mem>>)
    }
    %scan3A_111 = arith.constant 19 : i32
    %dma_wait3A_112 = arith.constant 0 : i32
    %dma_wait3A_113 = arith.constant 0 : i32
    %dma_wait3A_114 = arith.constant 0 : i32
    %dma_wait3A_115 = tpu.memref_slice %arg6[%dma_wait3A_112, %dma_wait3A_113, %dma_wait3A_114] : memref<40x2x128xi32, #tpu.memory_space<vmem>> -> memref<1x1x128xi32, #tpu.memory_space<vmem>>
    %dma_wait3A_116 = tpu.memref_squeeze %dma_wait3A_115 : memref<1x1x128xi32, #tpu.memory_space<vmem>> -> memref<128xi32, #tpu.memory_space<vmem>>
    %dma_wait3A_117 = arith.constant 0 : i32
    %dma_wait3A_118 = arith.constant 0 : i32
    %dma_wait3A_119 = tpu.memref_slice %arg2[%dma_wait3A_117, %dma_wait3A_118] : memref<10000x128xf32, #tpu.memory_space<hbm>> -> memref<10000x128xf32, #tpu.memory_space<hbm>>
    tpu.wait_indirect_dma semaphore(%arg11 : memref<!tpu.dma_semaphore, #tpu.memory_space<semaphore_mem>>) src(%dma_wait3A_119 : memref<10000x128xf32, #tpu.memory_space<hbm>>) dst(%arg8 : memref<128x128xf32, #tpu.memory_space<vmem>>)
    %dma_start3A_120 = arith.constant 39 : i32
    %dma_start3A_121 = arith.constant 1 : i32
    %dma_start3A_122 = arith.constant 0 : i32
    %dma_start3A_123 = tpu.memref_slice %arg6[%dma_start3A_120, %dma_start3A_121, %dma_start3A_122] : memref<40x2x128xi32, #tpu.memory_space<vmem>> -> memref<1x1x128xi32, #tpu.memory_space<vmem>>
    %dma_start3A_124 = tpu.memref_squeeze %dma_start3A_123 : memref<1x1x128xi32, #tpu.memory_space<vmem>> -> memref<128xi32, #tpu.memory_space<vmem>>
    %dma_start3A_125 = arith.constant 0 : i32
    %dma_start3A_126 = arith.constant 0 : i32
    %dma_start3A_127 = tpu.memref_slice %arg9[%dma_start3A_125, %dma_start3A_126] : memref<10112x128xf32, #tpu.memory_space<vmem_shared>> -> memref<10112x128xf32, #tpu.memory_space<vmem_shared>>
    tpu.enqueue_indirect_dma source(%arg8 : memref<128x128xf32, #tpu.memory_space<vmem>>) target(%dma_start3A_127 : memref<10112x128xf32, #tpu.memory_space<vmem_shared>>) offsets(%dma_start3A_124 : memref<128xi32, #tpu.memory_space<vmem>>) semaphore(%arg13 : memref<!tpu.dma_semaphore, #tpu.memory_space<semaphore_mem>>) {add = true}
    %dma_wait3A_128 = arith.constant 0 : i32
    %dma_wait3A_129 = arith.constant 1 : i32
    %dma_wait3A_130 = arith.constant 0 : i32
    %dma_wait3A_131 = tpu.memref_slice %arg6[%dma_wait3A_128, %dma_wait3A_129, %dma_wait3A_130] : memref<40x2x128xi32, #tpu.memory_space<vmem>> -> memref<1x1x128xi32, #tpu.memory_space<vmem>>
    %dma_wait3A_132 = tpu.memref_squeeze %dma_wait3A_131 : memref<1x1x128xi32, #tpu.memory_space<vmem>> -> memref<128xi32, #tpu.memory_space<vmem>>
    %dma_wait3A_133 = arith.constant 0 : i32
    %dma_wait3A_134 = arith.constant 0 : i32
    %dma_wait3A_135 = tpu.memref_slice %arg9[%dma_wait3A_133, %dma_wait3A_134] : memref<10112x128xf32, #tpu.memory_space<vmem_shared>> -> memref<10112x128xf32, #tpu.memory_space<vmem_shared>>
    tpu.wait_indirect_dma semaphore(%arg12 : memref<!tpu.dma_semaphore, #tpu.memory_space<semaphore_mem>>) src(%arg7 : memref<128x128xf32, #tpu.memory_space<vmem>>) dst(%dma_wait3A_135 : memref<10112x128xf32, #tpu.memory_space<vmem_shared>>)
    %dma_wait3A_136 = arith.constant 0 : i32
    %dma_wait3A_137 = arith.constant 1 : i32
    %dma_wait3A_138 = arith.constant 0 : i32
    %dma_wait3A_139 = tpu.memref_slice %arg6[%dma_wait3A_136, %dma_wait3A_137, %dma_wait3A_138] : memref<40x2x128xi32, #tpu.memory_space<vmem>> -> memref<1x1x128xi32, #tpu.memory_space<vmem>>
    %dma_wait3A_140 = tpu.memref_squeeze %dma_wait3A_139 : memref<1x1x128xi32, #tpu.memory_space<vmem>> -> memref<128xi32, #tpu.memory_space<vmem>>
    %dma_wait3A_141 = arith.constant 0 : i32
    %dma_wait3A_142 = arith.constant 0 : i32
    %dma_wait3A_143 = tpu.memref_slice %arg9[%dma_wait3A_141, %dma_wait3A_142] : memref<10112x128xf32, #tpu.memory_space<vmem_shared>> -> memref<10112x128xf32, #tpu.memory_space<vmem_shared>>
    tpu.wait_indirect_dma semaphore(%arg13 : memref<!tpu.dma_semaphore, #tpu.memory_space<semaphore_mem>>) src(%arg8 : memref<128x128xf32, #tpu.memory_space<vmem>>) dst(%dma_wait3A_143 : memref<10112x128xf32, #tpu.memory_space<vmem_shared>>)
    %barrier3A_144 = arith.constant 0 : index
    tpu.barrier barrier_id(%barrier3A_144)
    "tpu.trace_stop"() : () -> ()
    "tpu.trace_start"() <{level = 10 : i32, message = "agg_out"}> : () -> ()
    %mul3A_145 = arith.constant 632 : i32
    %mul3A_146 = arith.muli %arg1, %mul3A_145 : i32
    %mul3A_147 = arith.constant 632 : i32
    %mul3A_148 = arith.muli %arg1, %mul3A_147 : i32
    "tpu.region"() ({
      %run_scoped3A = tpu.sem_alloc : memref<!tpu.dma_semaphore, #tpu.memory_space<semaphore_mem>>
      %dma_start3A_149 = arith.constant 0 : i32
      %dma_start3A_150 = tpu.memref_slice %arg5[%arg0, %mul3A_148, %dma_start3A_149] : memref<2x10112x128xf32, #tpu.memory_space<hbm>> -> memref<1x632x128xf32, #tpu.memory_space<hbm>>
      %dma_start3A_151 = tpu.memref_squeeze %dma_start3A_150 : memref<1x632x128xf32, #tpu.memory_space<hbm>> -> memref<632x128xf32, #tpu.memory_space<hbm>>
      %dma_start3A_152 = arith.constant 0 : i32
      %dma_start3A_153 = tpu.memref_slice %arg9[%mul3A_146, %dma_start3A_152] : memref<10112x128xf32, #tpu.memory_space<vmem_shared>> -> memref<632x128xf32, #tpu.memory_space<vmem_shared>>
      tpu.enqueue_dma source(%dma_start3A_153 : memref<632x128xf32, #tpu.memory_space<vmem_shared>>) target(%dma_start3A_151 : memref<632x128xf32, #tpu.memory_space<hbm>>) target_semaphore(%run_scoped3A : memref<!tpu.dma_semaphore, #tpu.memory_space<semaphore_mem>>)
      %dma_wait3A_154 = arith.constant 0 : i32
      %dma_wait3A_155 = tpu.memref_slice %arg5[%arg0, %mul3A_148, %dma_wait3A_154] : memref<2x10112x128xf32, #tpu.memory_space<hbm>> -> memref<1x632x128xf32, #tpu.memory_space<hbm>>
      %dma_wait3A_156 = tpu.memref_squeeze %dma_wait3A_155 : memref<1x632x128xf32, #tpu.memory_space<hbm>> -> memref<632x128xf32, #tpu.memory_space<hbm>>
      %dma_wait3A_157 = arith.constant 0 : i32
      %dma_wait3A_158 = tpu.memref_slice %arg9[%mul3A_146, %dma_wait3A_157] : memref<10112x128xf32, #tpu.memory_space<vmem_shared>> -> memref<632x128xf32, #tpu.memory_space<vmem_shared>>
      tpu.wait_dma2 semaphore(%run_scoped3A : memref<!tpu.dma_semaphore, #tpu.memory_space<semaphore_mem>>) src(%dma_wait3A_158 : memref<632x128xf32, #tpu.memory_space<vmem_shared>>) dst(%dma_wait3A_156 : memref<632x128xf32, #tpu.memory_space<hbm>>)
      tpu.yield
    }) : () -> ()
    "tpu.trace_stop"() : () -> ()
    return
  }
}

module attributes {stable_mosaic.version = 14 : i64} {
  func.func @_tc_prescale_kernel(%arg0: i32, %arg1: memref<2000x1xf32, #tpu.memory_space<vmem>>, %arg2: memref<2000x1xf32, #tpu.memory_space<vmem>>, %arg3: memref<2000x128xf32, #tpu.memory_space<vmem>>, %arg4: memref<2000x128xf32, #tpu.memory_space<vmem>>) attributes {dimension_semantics = [#tpu.dimension_semantics<arbitrary>], iteration_bounds = array<i64: 5>, scalar_prefetch = 0 : i64, scratch_operands = 0 : i64, tpu.core_type = #tpu.core_type<tc>, window_params = [{transform_indices = @transform_0, window_bounds = array<i64: 2000, 1>}, {transform_indices = @transform_1, window_bounds = array<i64: 2000, 1>}, {transform_indices = @transform_2, window_bounds = array<i64: 2000, 128>}, {transform_indices = @transform_3, window_bounds = array<i64: 2000, 128>}]} {
    %get3A = arith.constant 0 : index
    %get3A_0 = arith.constant 0 : index
    %get3A_1 = vector.load %arg1[%get3A, %get3A_0] : memref<2000x1xf32, #tpu.memory_space<vmem>>, vector<2000x1xf32>
    %get3A_2 = arith.constant 0 : index
    %get3A_3 = arith.constant 0 : index
    %get3A_4 = vector.load %arg2[%get3A_2, %get3A_3] : memref<2000x1xf32, #tpu.memory_space<vmem>>, vector<2000x1xf32>
    %add3A = arith.addf %get3A_1, %get3A_4 : vector<2000x1xf32>
    %add3A_5 = arith.constant 1.000000e+00 : f32
    %add3A_6 = vector.broadcast %add3A_5 : f32 to vector<2000x1xf32>
    %add3A_7 = arith.addf %add3A, %add3A_6 : vector<2000x1xf32>
    %rsqrt3A = math.rsqrt %add3A_7 : vector<2000x1xf32>
    %get3A_8 = arith.constant 0 : index
    %get3A_9 = arith.constant 0 : index
    %get3A_10 = vector.load %arg3[%get3A_8, %get3A_9] : memref<2000x128xf32, #tpu.memory_space<vmem>>, vector<2000x128xf32>
    %mul3A = vector.broadcast %rsqrt3A : vector<2000x1xf32> to vector<2000x128xf32>
    %mul3A_11 = arith.mulf %get3A_10, %mul3A : vector<2000x128xf32>
    %swap3A = arith.constant 0 : index
    %swap3A_12 = arith.constant 0 : index
    %swap3A_13 = vector.load %arg4[%swap3A, %swap3A_12] : memref<2000x128xf32, #tpu.memory_space<vmem>>, vector<2000x128xf32>
    tpu.vector_store %arg4[%swap3A, %swap3A_12], %mul3A_11 {strides = array<i32>} : memref<2000x128xf32, #tpu.memory_space<vmem>>, vector<2000x128xf32>,
    return
  }
  func.func @transform_0(%arg0: i32) -> (i32, i32) {
    %c0_i32 = arith.constant 0 : i32
    %c0_i32_0 = arith.constant 0 : i32
    return %arg0, %c0_i32 : i32, i32
  }
  func.func @transform_1(%arg0: i32) -> (i32, i32) {
    %c0_i32 = arith.constant 0 : i32
    %c0_i32_0 = arith.constant 0 : i32
    return %arg0, %c0_i32 : i32, i32
  }
  func.func @transform_2(%arg0: i32) -> (i32, i32) {
    %c0_i32 = arith.constant 0 : i32
    %c0_i32_0 = arith.constant 0 : i32
    return %arg0, %c0_i32 : i32, i32
  }
  func.func @transform_3(%arg0: i32) -> (i32, i32) {
    %c0_i32 = arith.constant 0 : i32
    %c0_i32_0 = arith.constant 0 : i32
    return %arg0, %c0_i32 : i32, i32
  }
}

module attributes {stable_mosaic.version = 14 : i64} {
  func.func @_tc_mid_kernel(%arg0: i32, %arg1: memref<1x2000x128xf32, #tpu.memory_space<vmem>>, %arg2: memref<1x2000x128xf32, #tpu.memory_space<vmem>>, %arg3: memref<2000x128xf32, #tpu.memory_space<vmem>>, %arg4: memref<2000x1xf32, #tpu.memory_space<vmem>>, %arg5: memref<2000x1xf32, #tpu.memory_space<vmem>>, %arg6: memref<128x256xf32, #tpu.memory_space<vmem>>, %arg7: memref<1x256xf32, #tpu.memory_space<vmem>>, %arg8: memref<256x128xf32, #tpu.memory_space<vmem>>, %arg9: memref<2000x128xf32, #tpu.memory_space<vmem>>, %arg10: memref<2000x128xf32, #tpu.memory_space<vmem>>) attributes {dimension_semantics = [#tpu.dimension_semantics<arbitrary>], iteration_bounds = array<i64: 5>, scalar_prefetch = 0 : i64, scratch_operands = 0 : i64, tpu.core_type = #tpu.core_type<tc>, window_params = [{transform_indices = @transform_0, window_bounds = array<i64: 1, 2000, 128>}, {transform_indices = @transform_1, window_bounds = array<i64: 1, 2000, 128>}, {transform_indices = @transform_2, window_bounds = array<i64: 2000, 128>}, {transform_indices = @transform_3, window_bounds = array<i64: 2000, 1>}, {transform_indices = @transform_4, window_bounds = array<i64: 2000, 1>}, {pipeline_mode = #tpu.pipeline_mode<synchronous>, transform_indices = @transform_5, window_bounds = array<i64: 128, 256>}, {pipeline_mode = #tpu.pipeline_mode<synchronous>, transform_indices = @transform_6, window_bounds = array<i64: 1, 256>}, {pipeline_mode = #tpu.pipeline_mode<synchronous>, transform_indices = @transform_7, window_bounds = array<i64: 256, 128>}, {transform_indices = @transform_8, window_bounds = array<i64: 2000, 128>}, {transform_indices = @transform_9, window_bounds = array<i64: 2000, 128>}]} {
    %get3A = arith.constant 0 : index
    %get3A_0 = arith.constant 0 : index
    %get3A_1 = vector.load %arg4[%get3A, %get3A_0] : memref<2000x1xf32, #tpu.memory_space<vmem>>, vector<2000x1xf32>
    %get3A_2 = arith.constant 0 : index
    %get3A_3 = arith.constant 0 : index
    %get3A_4 = vector.load %arg5[%get3A_2, %get3A_3] : memref<2000x1xf32, #tpu.memory_space<vmem>>, vector<2000x1xf32>
    %add3A = arith.addf %get3A_1, %get3A_4 : vector<2000x1xf32>
    %add3A_5 = arith.constant 1.000000e+00 : f32
    %add3A_6 = vector.broadcast %add3A_5 : f32 to vector<2000x1xf32>
    %add3A_7 = arith.addf %add3A, %add3A_6 : vector<2000x1xf32>
    %rsqrt3A = math.rsqrt %add3A_7 : vector<2000x1xf32>
    %div3A = arith.constant 1.000000e+00 : f32
    %div3A_8 = vector.broadcast %div3A : f32 to vector<2000x1xf32>
    %div3A_9 = arith.divf %div3A_8, %add3A_7 : vector<2000x1xf32>
    %get3A_10 = arith.constant 0 : index
    %get3A_11 = arith.constant 0 : index
    %get3A_12 = arith.constant 0 : index
    %get3A_13 = vector.load %arg1[%get3A_10, %get3A_11, %get3A_12] : memref<1x2000x128xf32, #tpu.memory_space<vmem>>, vector<1x2000x128xf32>
    %get3A_14 = vector.shape_cast %get3A_13 : vector<1x2000x128xf32> to vector<2000x128xf32>
    %get3A_15 = arith.constant 0 : index
    %get3A_16 = arith.constant 0 : index
    %get3A_17 = arith.constant 0 : index
    %get3A_18 = vector.load %arg2[%get3A_15, %get3A_16, %get3A_17] : memref<1x2000x128xf32, #tpu.memory_space<vmem>>, vector<1x2000x128xf32>
    %get3A_19 = vector.shape_cast %get3A_18 : vector<1x2000x128xf32> to vector<2000x128xf32>
    %add3A_20 = arith.addf %get3A_14, %get3A_19 : vector<2000x128xf32>
    %mul3A = vector.broadcast %rsqrt3A : vector<2000x1xf32> to vector<2000x128xf32>
    %mul3A_21 = arith.mulf %mul3A, %add3A_20 : vector<2000x128xf32>
    %get3A_22 = arith.constant 0 : index
    %get3A_23 = arith.constant 0 : index
    %get3A_24 = vector.load %arg3[%get3A_22, %get3A_23] : memref<2000x128xf32, #tpu.memory_space<vmem>>, vector<2000x128xf32>
    %mul3A_25 = vector.broadcast %div3A_9 : vector<2000x1xf32> to vector<2000x128xf32>
    %mul3A_26 = arith.mulf %mul3A_25, %get3A_24 : vector<2000x128xf32>
    %add3A_27 = arith.addf %mul3A_21, %mul3A_26 : vector<2000x128xf32>
    %get3A_28 = arith.constant 0 : index
    %get3A_29 = arith.constant 0 : index
    %get3A_30 = vector.load %arg6[%get3A_28, %get3A_29] : memref<128x256xf32, #tpu.memory_space<vmem>>, vector<128x256xf32>
    %dot_general3A = arith.constant dense<0.000000e+00> : vector<2000x256xf32>
    %dot_general3A_31 = tpu.matmul %add3A_27, %get3A_30, %dot_general3A {dimension_numbers = #tpu.dot_dimension_numbers<[1], [0], [0], [1], [0, 0, 1, 1], [], []>, transpose_lhs_hint = false} : vector<2000x128xf32>, vector<128x256xf32>, vector<2000x256xf32> -> vector<2000x256xf32>
    %get3A_32 = arith.constant 0 : index
    %get3A_33 = arith.constant 0 : index
    %get3A_34 = vector.load %arg7[%get3A_32, %get3A_33] : memref<1x256xf32, #tpu.memory_space<vmem>>, vector<1x256xf32>
    %add3A_35 = vector.broadcast %get3A_34 : vector<1x256xf32> to vector<2000x256xf32>
    %add3A_36 = arith.addf %dot_general3A_31, %add3A_35 : vector<2000x256xf32>
    %max3A = arith.constant 0.000000e+00 : f32
    %max3A_37 = vector.broadcast %max3A : f32 to vector<2000x256xf32>
    %max3A_38 = arith.maximumf %add3A_36, %max3A_37 : vector<2000x256xf32>
    %get3A_39 = arith.constant 0 : index
    %get3A_40 = arith.constant 0 : index
    %get3A_41 = vector.load %arg8[%get3A_39, %get3A_40] : memref<256x128xf32, #tpu.memory_space<vmem>>, vector<256x128xf32>
    %dot_general3A_42 = arith.constant dense<0.000000e+00> : vector<2000x128xf32>
    %dot_general3A_43 = tpu.matmul %max3A_38, %get3A_41, %dot_general3A_42 {dimension_numbers = #tpu.dot_dimension_numbers<[1], [0], [0], [1], [0, 0, 1, 1], [], []>, transpose_lhs_hint = false} : vector<2000x256xf32>, vector<256x128xf32>, vector<2000x128xf32> -> vector<2000x128xf32>
    %swap3A = arith.constant 0 : index
    %swap3A_44 = arith.constant 0 : index
    %swap3A_45 = vector.load %arg9[%swap3A, %swap3A_44] : memref<2000x128xf32, #tpu.memory_space<vmem>>, vector<2000x128xf32>
    tpu.vector_store %arg9[%swap3A, %swap3A_44], %dot_general3A_43 {strides = array<i32>} : memref<2000x128xf32, #tpu.memory_space<vmem>>, vector<2000x128xf32>,
    %mul3A_46 = vector.broadcast %rsqrt3A : vector<2000x1xf32> to vector<2000x128xf32>
    %mul3A_47 = arith.mulf %dot_general3A_43, %mul3A_46 : vector<2000x128xf32>
    %swap3A_48 = arith.constant 0 : index
    %swap3A_49 = arith.constant 0 : index
    %swap3A_50 = vector.load %arg10[%swap3A_48, %swap3A_49] : memref<2000x128xf32, #tpu.memory_space<vmem>>, vector<2000x128xf32>
    tpu.vector_store %arg10[%swap3A_48, %swap3A_49], %mul3A_47 {strides = array<i32>} : memref<2000x128xf32, #tpu.memory_space<vmem>>, vector<2000x128xf32>,
    return
  }
  func.func @transform_0(%arg0: i32) -> (i32, i32, i32) {
    %c0_i32 = arith.constant 0 : i32
    %c0_i32_0 = arith.constant 0 : i32
    %c0_i32_1 = arith.constant 0 : i32
    return %c0_i32, %arg0, %c0_i32_0 : i32, i32, i32
  }
  func.func @transform_1(%arg0: i32) -> (i32, i32, i32) {
    %c1_i32 = arith.constant 1 : i32
    %c0_i32 = arith.constant 0 : i32
    %c0_i32_0 = arith.constant 0 : i32
    return %c1_i32, %arg0, %c0_i32 : i32, i32, i32
  }
  func.func @transform_2(%arg0: i32) -> (i32, i32) {
    %c0_i32 = arith.constant 0 : i32
    %c0_i32_0 = arith.constant 0 : i32
    return %arg0, %c0_i32 : i32, i32
  }
  func.func @transform_3(%arg0: i32) -> (i32, i32) {
    %c0_i32 = arith.constant 0 : i32
    %c0_i32_0 = arith.constant 0 : i32
    return %arg0, %c0_i32 : i32, i32
  }
  func.func @transform_4(%arg0: i32) -> (i32, i32) {
    %c0_i32 = arith.constant 0 : i32
    %c0_i32_0 = arith.constant 0 : i32
    return %arg0, %c0_i32 : i32, i32
  }
  func.func @transform_5(%arg0: i32) -> (i32, i32) {
    %c0_i32 = arith.constant 0 : i32
    %c0_i32_0 = arith.constant 0 : i32
    %c0_i32_1 = arith.constant 0 : i32
    return %c0_i32, %c0_i32_0 : i32, i32
  }
  func.func @transform_6(%arg0: i32) -> (i32, i32) {
    %c0_i32 = arith.constant 0 : i32
    %c0_i32_0 = arith.constant 0 : i32
    %c0_i32_1 = arith.constant 0 : i32
    return %c0_i32, %c0_i32_0 : i32, i32
  }
  func.func @transform_7(%arg0: i32) -> (i32, i32) {
    %c0_i32 = arith.constant 0 : i32
    %c0_i32_0 = arith.constant 0 : i32
    %c0_i32_1 = arith.constant 0 : i32
    return %c0_i32, %c0_i32_0 : i32, i32
  }
  func.func @transform_8(%arg0: i32) -> (i32, i32) {
    %c0_i32 = arith.constant 0 : i32
    %c0_i32_0 = arith.constant 0 : i32
    return %arg0, %c0_i32 : i32, i32
  }
  func.func @transform_9(%arg0: i32) -> (i32, i32) {
    %c0_i32 = arith.constant 0 : i32
    %c0_i32_0 = arith.constant 0 : i32
    return %arg0, %c0_i32 : i32, i32
  }
}

module attributes {stable_mosaic.version = 14 : i64} {
  func.func @_tc_final_kernel(%arg0: i32, %arg1: memref<1x2000x128xf32, #tpu.memory_space<vmem>>, %arg2: memref<1x2000x128xf32, #tpu.memory_space<vmem>>, %arg3: memref<2000x128xf32, #tpu.memory_space<vmem>>, %arg4: memref<2000x1xf32, #tpu.memory_space<vmem>>, %arg5: memref<2000x1xf32, #tpu.memory_space<vmem>>, %arg6: memref<1x128xf32, #tpu.memory_space<vmem>>, %arg7: memref<2000x128xf32, #tpu.memory_space<vmem>>) attributes {dimension_semantics = [#tpu.dimension_semantics<arbitrary>], iteration_bounds = array<i64: 5>, scalar_prefetch = 0 : i64, scratch_operands = 0 : i64, tpu.core_type = #tpu.core_type<tc>, window_params = [{transform_indices = @transform_0, window_bounds = array<i64: 1, 2000, 128>}, {transform_indices = @transform_1, window_bounds = array<i64: 1, 2000, 128>}, {transform_indices = @transform_2, window_bounds = array<i64: 2000, 128>}, {transform_indices = @transform_3, window_bounds = array<i64: 2000, 1>}, {transform_indices = @transform_4, window_bounds = array<i64: 2000, 1>}, {pipeline_mode = #tpu.pipeline_mode<synchronous>, transform_indices = @transform_5, window_bounds = array<i64: 1, 128>}, {transform_indices = @transform_6, window_bounds = array<i64: 2000, 128>}]} {
    %get3A = arith.constant 0 : index
    %get3A_0 = arith.constant 0 : index
    %get3A_1 = vector.load %arg4[%get3A, %get3A_0] : memref<2000x1xf32, #tpu.memory_space<vmem>>, vector<2000x1xf32>
    %get3A_2 = arith.constant 0 : index
    %get3A_3 = arith.constant 0 : index
    %get3A_4 = vector.load %arg5[%get3A_2, %get3A_3] : memref<2000x1xf32, #tpu.memory_space<vmem>>, vector<2000x1xf32>
    %add3A = arith.addf %get3A_1, %get3A_4 : vector<2000x1xf32>
    %add3A_5 = arith.constant 1.000000e+00 : f32
    %add3A_6 = vector.broadcast %add3A_5 : f32 to vector<2000x1xf32>
    %add3A_7 = arith.addf %add3A, %add3A_6 : vector<2000x1xf32>
    %rsqrt3A = math.rsqrt %add3A_7 : vector<2000x1xf32>
    %div3A = arith.constant 1.000000e+00 : f32
    %div3A_8 = vector.broadcast %div3A : f32 to vector<2000x1xf32>
    %div3A_9 = arith.divf %div3A_8, %add3A_7 : vector<2000x1xf32>
    %get3A_10 = arith.constant 0 : index
    %get3A_11 = arith.constant 0 : index
    %get3A_12 = arith.constant 0 : index
    %get3A_13 = vector.load %arg1[%get3A_10, %get3A_11, %get3A_12] : memref<1x2000x128xf32, #tpu.memory_space<vmem>>, vector<1x2000x128xf32>
    %get3A_14 = vector.shape_cast %get3A_13 : vector<1x2000x128xf32> to vector<2000x128xf32>
    %get3A_15 = arith.constant 0 : index
    %get3A_16 = arith.constant 0 : index
    %get3A_17 = arith.constant 0 : index
    %get3A_18 = vector.load %arg2[%get3A_15, %get3A_16, %get3A_17] : memref<1x2000x128xf32, #tpu.memory_space<vmem>>, vector<1x2000x128xf32>
    %get3A_19 = vector.shape_cast %get3A_18 : vector<1x2000x128xf32> to vector<2000x128xf32>
    %add3A_20 = arith.addf %get3A_14, %get3A_19 : vector<2000x128xf32>
    %mul3A = vector.broadcast %rsqrt3A : vector<2000x1xf32> to vector<2000x128xf32>
    %mul3A_21 = arith.mulf %mul3A, %add3A_20 : vector<2000x128xf32>
    %get3A_22 = arith.constant 0 : index
    %get3A_23 = arith.constant 0 : index
    %get3A_24 = vector.load %arg3[%get3A_22, %get3A_23] : memref<2000x128xf32, #tpu.memory_space<vmem>>, vector<2000x128xf32>
    %mul3A_25 = vector.broadcast %div3A_9 : vector<2000x1xf32> to vector<2000x128xf32>
    %mul3A_26 = arith.mulf %mul3A_25, %get3A_24 : vector<2000x128xf32>
    %add3A_27 = arith.addf %mul3A_21, %mul3A_26 : vector<2000x128xf32>
    %get3A_28 = arith.constant 0 : index
    %get3A_29 = arith.constant 0 : index
    %get3A_30 = vector.load %arg6[%get3A_28, %get3A_29] : memref<1x128xf32, #tpu.memory_space<vmem>>, vector<1x128xf32>
    %add3A_31 = vector.broadcast %get3A_30 : vector<1x128xf32> to vector<2000x128xf32>
    %add3A_32 = arith.addf %add3A_27, %add3A_31 : vector<2000x128xf32>
    %reduce_max3A = arith.constant dense<0xFF800000> : vector<2000xf32>
    %reduce_max3A_33 = vector.multi_reduction <maximumf>, %add3A_32, %reduce_max3A [1] : vector<2000x128xf32> to vector<2000xf32>
    %broadcast_in_dim3A = vector.shape_cast %reduce_max3A_33 : vector<2000xf32> to vector<2000x1xf32>
    %sub3A = vector.broadcast %broadcast_in_dim3A : vector<2000x1xf32> to vector<2000x128xf32>
    %sub3A_34 = arith.subf %add3A_32, %sub3A : vector<2000x128xf32>
    %exp3A = math.exp %sub3A_34 : vector<2000x128xf32>
    %reduce_sum3A = arith.constant dense<0.000000e+00> : vector<2000xf32>
    %reduce_sum3A_35 = vector.multi_reduction <add>, %exp3A, %reduce_sum3A [1] : vector<2000x128xf32> to vector<2000xf32>
    %broadcast_in_dim3A_36 = vector.shape_cast %reduce_sum3A_35 : vector<2000xf32> to vector<2000x1xf32>
    %log3A = math.log %broadcast_in_dim3A_36 : vector<2000x1xf32>
    %add3A_37 = arith.addf %log3A, %broadcast_in_dim3A : vector<2000x1xf32>
    %sub3A_38 = vector.broadcast %add3A_37 : vector<2000x1xf32> to vector<2000x128xf32>
    %sub3A_39 = arith.subf %add3A_32, %sub3A_38 : vector<2000x128xf32>
    %swap3A = arith.constant 0 : index
    %swap3A_40 = arith.constant 0 : index
    %swap3A_41 = vector.load %arg7[%swap3A, %swap3A_40] : memref<2000x128xf32, #tpu.memory_space<vmem>>, vector<2000x128xf32>
    tpu.vector_store %arg7[%swap3A, %swap3A_40], %sub3A_39 {strides = array<i32>} : memref<2000x128xf32, #tpu.memory_space<vmem>>, vector<2000x128xf32>,
    return
  }
  func.func @transform_0(%arg0: i32) -> (i32, i32, i32) {
    %c0_i32 = arith.constant 0 : i32
    %c0_i32_0 = arith.constant 0 : i32
    %c0_i32_1 = arith.constant 0 : i32
    return %c0_i32, %arg0, %c0_i32_0 : i32, i32, i32
  }
  func.func @transform_1(%arg0: i32) -> (i32, i32, i32) {
    %c1_i32 = arith.constant 1 : i32
    %c0_i32 = arith.constant 0 : i32
    %c0_i32_0 = arith.constant 0 : i32
    return %c1_i32, %arg0, %c0_i32 : i32, i32, i32
  }
  func.func @transform_2(%arg0: i32) -> (i32, i32) {
    %c0_i32 = arith.constant 0 : i32
    %c0_i32_0 = arith.constant 0 : i32
    return %arg0, %c0_i32 : i32, i32
  }
  func.func @transform_3(%arg0: i32) -> (i32, i32) {
    %c0_i32 = arith.constant 0 : i32
    %c0_i32_0 = arith.constant 0 : i32
    return %arg0, %c0_i32 : i32, i32
  }
  func.func @transform_4(%arg0: i32) -> (i32, i32) {
    %c0_i32 = arith.constant 0 : i32
    %c0_i32_0 = arith.constant 0 : i32
    return %arg0, %c0_i32 : i32, i32
  }
  func.func @transform_5(%arg0: i32) -> (i32, i32) {
    %c0_i32 = arith.constant 0 : i32
    %c0_i32_0 = arith.constant 0 : i32
    %c0_i32_1 = arith.constant 0 : i32
    return %c0_i32, %c0_i32_0 : i32, i32
  }
  func.func @transform_6(%arg0: i32) -> (i32, i32) {
    %c0_i32 = arith.constant 0 : i32
    %c0_i32_0 = arith.constant 0 : i32
    return %arg0, %c0_i32 : i32, i32
  }
}

</mosaic_0001>

<sc_bundles>
// kernel: kernel.11.cloned.1.call-start
scs
__scs_entry_jumppad:
0x0: {  	(pc) =	sbr.rel $0x88, $3  }
0x1: {  	(tag) =	ssettag $0x0;
	lr =	simm.s32 $0x1  }
0x2: {  	[smem:$0x3F9B] =	sst lr;
	_ =	strace $0xD0000000  }
0x3: {  	_ = 	snop  }
0x4: {  	_ = 	snop  }
0x5: {  	_ = 	snop  }
0x6: {  	_ = 	snop  }
0x7: {  	_ = 	snop  }
__scs_overlays_trampoline_lowered:
0x8: {  	[smem:$0x3FAA] =	sst s0  }
0x9: {  	[smem:$0x3FAB] =	sst s1  }
0xa: {  	[smem:$0x3FAC] =	sst s2  }
0xb: {  	[smem:$0x3FAD] =	sst s3  }
0xc: {  	[smem:$0x3FAE] =	sst s4  }
0xd: {  	[smem:$0x3FAF] =	sst s5  }
0xe: {  	[smem:$0x3FB0] =	sst s6  }
0xf: {  	[smem:$0x3FB1] =	sst s7  }
0x10: {  	[smem:$0x3FB2] =	sst s8  }
0x11: {  	[smem:$0x3FB3] =	sst s9;
	s0 =	simm.s32 @!p0 $0x0  }
0x12: {  	s1 =	sld [smem:$0x3F99];
	s0 =	simm.s32 @p0 $0x1  }
0x13: {  	[smem:$0x3FB4] =	sst s0;
	s0 =	simm.s32 @!p1 $0x0  }
0x14: {  	s2 =	sld [smem:$0x3F98];
	s0 =	simm.s32 @p1 $0x1  }
0x15: {  	[smem:$0x3FB5] =	sst s0;
	s0 =	simm.s32 @!p2 $0x0  }
0x16: {  	s3 =	sld [smem:$0x3FDB];
	s0 =	simm.s32 @p2 $0x1  }
0x17: {  	s4 =	simm.s32 $0x1BF5;
	[smem:$0x3FB7] =	sst s0  }
0x18: {  	s0 =	sld [smem:$0x3F9A];
	_ =	swait.ge [sflag:s4], $0x0  }
0x19: {  	s7 =	sld [smem:$0x3F9B]  }
0x1a: {  	s8 =	sadd.s32 $0xFFFFE003, lr  }
0x1b: {  	s9 =	sadd.s32 $0xFFFFFEF7, lr;
	s5 =	simm.s32 $0xFFFFFFFF;
	p2 =	slt.u32 s8, $0xFFFFF086  }
0x1c: {  	p1 =	slt.u32 s9, $0xF7A;
	s5 =	simm.s32 @!p2 $0x0  }
0x1d: {  	s5 =	simm.s32 @p1 $0x1;
	p0 =	seq.s32 s7, s2  }
0x1e: {  	s7 =	smul.u32 @!p0 $0xF7A, s2;
	p2 =	seq.s32 @!p0 s5, $0x0  }
0x1f: {  	s9 =	smul.u32 $0xF7A, s1;
	s8 =	simm.s32 @!p0 $0x1BF5;
	p2 =	por !p2, p0  }
0x20: {  	[sflag:s8] =	ssyncset.s32 @!p0 $0xFFFFF086;
	s6 =	sadd.s32 @!p0 s3, s7;
	s7 =	simm.s32 @!p0 $0x108  }
0x21: {  	s3 =	sadd.s32 s3, s9;
	s6 =	sadd.s32 @!p0 $0x88, s6;
	s7 =	simm.s32 @p2 $0x1082  }
0x22: {  	[simem:s7], [sflag:s8] =	dma.local @!p0 [hbm:s6], $0xF7A  }
0x23: {  	s9 =	sor.u32 $0xD0000000, s2;
	s6 =	simm.s32 $0x108;
	_ =	swait.ge @!p0 [sflag:s8], $0x0  }
0x24: {  	s3 =	sadd.s32 $0x88, s3;
	s6 =	simm.s32 @!p1 $0x1082;
	[sflag:s4] =	ssyncset.s32 $0xFFFFF086  }
0x25: {  	[simem:s6], [sflag:s4] =	dma.local [hbm:s3], $0xF7A  }
0x26: {  	[smem:$0x3F9B] =	sst s1;
	(tag) =	ssettag s2;
	_ =	strace s9  }
0x27: {  	s1 =	sld [smem:$0x3FAB]  }
0x28: {  	s2 =	sld [smem:$0x3FAC]  }
0x29: {  	s4 =	sld [smem:$0x3FAE]  }
0x2a: {  	p0 =	seq.s32 s5, $0x0;
	s5 =	sld [smem:$0x3FAF]  }
0x2b: {  	s6 =	sld [smem:$0x3FB0]  }
0x2c: {  	s7 =	sld [smem:$0x3FB1]  }
0x2d: {  	s3 =	simm.s32 $0x108;
	s8 =	sld [smem:$0x3FB2]  }
0x2e: {  	s3 =	simm.s32 @!p0 $0x1082;
	s9 =	sld [smem:$0x3FB3]  }
0x2f: {  	lr =	sadd.s32 s0, s3;
	s0 =	sld [smem:$0x3FAA]  }
0x30: {  	s3 =	sld [smem:$0x3FAD]  }
0x31: {  	[smem:$0x3FB6] =	sst s10  }
0x32: {  	s10 =	sld [smem:$0x3FB4];
	_ =	sdelay $0x3  }
0x33: {  	p0 =	seq.s32 s10, $0x1;
	s10 =	sld [smem:$0x3FB6];
	_ =	sdelay $0x3  }
0x34: {  	[smem:$0x3FB6] =	sst s10  }
0x35: {  	s10 =	sld [smem:$0x3FB5];
	_ =	sdelay $0x3  }
0x36: {  	p1 =	seq.s32 s10, $0x1;
	s10 =	sld [smem:$0x3FB6];
	_ =	sdelay $0x3  }
0x37: {  	[smem:$0x3FB6] =	sst s10  }
0x38: {  	s10 =	sld [smem:$0x3FB7]  }
0x39: {  	_ = 	snop;
	(pc) =	sbr.ind lr, $3  }
0x3a: {  	_ = 	snop  }
0x3b: {  	_ = 	snop  }
0x3c: {  	p2 =	seq.s32 s10, $0x1;
	s10 =	sld [smem:$0x3FB6]  }
0x3d: {  	_ =	shalt  }
0x3e: {  	_ =	shalt  }
0x3f: {  	_ =	shalt  }
0x40: {  	_ =	shalt  }
0x41: {  	_ =	shalt  }
0x42: {  	_ =	shalt  }
0x43: {  	_ =	shalt  }
0x44: {  	_ =	shalt  }
0x45: {  	_ =	shalt  }
0x46: {  	_ =	shalt  }
0x47: {  	_ =	shalt  }
0x48: {  	_ =	shalt  }
0x49: {  	_ =	shalt  }
0x4a: {  	_ =	shalt  }
0x4b: {  	_ =	shalt  }
0x4c: {  	_ =	shalt  }
0x4d: {  	_ =	shalt  }
0x4e: {  	_ =	shalt  }
0x4f: {  	_ =	shalt  }
0x50: {  	_ =	shalt  }
0x51: {  	_ =	shalt  }
0x52: {  	_ =	shalt  }
0x53: {  	_ =	shalt  }
0x54: {  	_ =	shalt  }
0x55: {  	_ =	shalt  }
0x56: {  	_ =	shalt  }
0x57: {  	_ =	shalt  }
0x58: {  	_ =	shalt  }
0x59: {  	_ =	shalt  }
0x5a: {  	_ =	shalt  }
0x5b: {  	_ =	shalt  }
0x5c: {  	_ =	shalt  }
0x5d: {  	_ =	shalt  }
0x5e: {  	_ =	shalt  }
0x5f: {  	_ =	shalt  }
0x60: {  	_ =	shalt  }
0x61: {  	_ =	shalt  }
0x62: {  	_ =	shalt  }
0x63: {  	_ =	shalt  }
0x64: {  	_ =	shalt  }
0x65: {  	_ =	shalt  }
0x66: {  	_ =	shalt  }
0x67: {  	_ =	shalt  }
0x68: {  	_ =	shalt  }
0x69: {  	_ =	shalt  }
0x6a: {  	_ =	shalt  }
0x6b: {  	_ =	shalt  }
0x6c: {  	_ =	shalt  }
0x6d: {  	_ =	shalt  }
0x6e: {  	_ =	shalt  }
0x6f: {  	_ =	shalt  }
0x70: {  	_ =	shalt  }
0x71: {  	_ =	shalt  }
0x72: {  	_ =	shalt  }
0x73: {  	_ =	shalt  }
0x74: {  	_ =	shalt  }
0x75: {  	_ =	shalt  }
0x76: {  	_ =	shalt  }
0x77: {  	_ =	shalt  }
0x78: {  	_ =	shalt  }
0x79: {  	_ =	shalt  }
0x7a: {  	_ =	shalt  }
0x7b: {  	_ =	shalt  }
0x7c: {  	_ =	shalt  }
0x7d: {  	_ =	shalt  }
0x7e: {  	_ =	shalt  }
0x7f: {  	_ =	shalt  }
0x80: {  	_ =	shalt  }
0x81: {  	_ =	shalt  }
0x82: {  	_ =	shalt  }
0x83: {  	_ =	shalt  }
0x84: {  	_ =	shalt  }
0x85: {  	_ =	shalt  }
0x86: {  	_ =	shalt  }
0x87: {  	_ =	shalt  }
.Lfunc_end0:
.L_simem_size_0:
called_computation.1_lowered:
.L_overlay_start_0:
0x88: {  	s2 =	sld [smem:$0x3FD9]  }
0x89: {  	s3 =	sld [smem:$0x3FFE];
	_ =	sdelay $0x1  }
0x8a: {  	s1 =	srdreg.scid  }
0x8b: {  	s0 =	sand.u32 $0x1, s1  }
0x8c: {  	s17 =	sshll.u32 s0, $0xA;
	s2 =	sadd.s32 s3, s2  }
0x8d: {  	s2 =	sadd.s32 s2, s17  }
0x8e: {  	[smem:$0x3FC2] =	sst s2  }
0x8f: {  	_ = 	snop  }
0x90: {  	s2 =	sld [smem:$0x3FD0];
	(tm) =	ssettm $0x1  }
0x91: {  	s18 =	sld [smem:$0x3FFB];
	_ =	sdelay $0x3  }
0x92: {  	_ =	strace s18  }
0x93: {  	s3 =	sld [smem:$0x3FFC];
	_ =	sdelay $0x3  }
0x94: {  	_ =	strace s3  }
0x95: {  	s3 =	sld [smem:$0x3FFD];
	_ =	sdelay $0x3  }
0x96: {  	_ =	strace s3  }
0x97: {  	_ =	strace $0x8FFFFFFF  }
0x98: {  	s19 =	sld [smem:$0x3FDB];
	_ =	sdelay $0x1  }
0x99: {  	s4 =	simm.s32 $_scs_section_size  }
0x9a: {  	s5 =	simm.s32 $_size__tile_overlayer_lowered;
	s6 =	simm.s32 $_tile_overlayer_lowered  }
0x9b: {  	s22 =	simm.s32 $0x1BFF;
	s21 =	sshll.u32 s6, $0x1;
	s3 =	sadd.s32 s4, s19  }
0x9c: {  	s7 =	simm.s32 $0x0;
	s20 =	sshll.u32 s5, $0x1;
	s5 =	sadd.s32 s21, s3  }
0x9d: {  	[timem:s7], [sflag:s22] =	dma.local [hbm:s5], s20  }
0x9e: {  	_ =	swait.ge [sflag:s22], s20  }
0x9f: {  	s4 =	ssub.s32 $0x0, s20;
	[sflag:s22] =	ssyncset.done $0x0  }
0xa0: {  	[sflag:s22] =	ssyncadd.s32 s4;
	_ =	sdelay $0x1  }
0xa1: {  	s23 =	simm.s32 $0x1B8B  }
0xa2: {  	_ =	swait.ge [sflag:s23], $0x1  }
0xa3: {  	[sflag:s23] =	ssyncset.done $0x0  }
0xa4: {  	s25 =	simm.s32 $0x1B8E;
	s24 =	sld [smem:$0x3FFE];
	[sflag:s23] =	ssyncadd.s32 $0xFFFFFFFF  }
0xa5: {  	s26 =	simm.s32 $execute0_lowered;
	[smem:$0x3FD2] =	sst s25  }
0xa6: {  	s5 =	sshll.u32 s26, $0x1;
	_ =	strace $0x80000049;
	[dreg:$0x1] =	wrdreg $0xFFFFFFFF  }
0xa7: {  	s28 =	simm.s32 $_size_execute0_lowered;
	s3 =	sadd.s32 s3, s5;
	[dreg:$0x0] =	wrdreg $0x0  }
0xa8: {  	s5 =	sshll.u32 s28, $0x1;
	[dreg:$0x2] =	wrdreg s3  }
0xa9: {  	[dreg:$0x3] =	wrdreg s5  }
0xaa: {  	[dreg:$0x4] =	wrdreg $0xC0  }
0xab: {  	_ =	task [dreg:s7], $0x5FFFF  }
0xac: {  	[dreg:$0x1] =	wrdreg $0xFFFFFFFF  }
0xad: {  	[dreg:$0x0] =	wrdreg $0x60  }
0xae: {  	[dreg:$0x2] =	wrdreg s2  }
0xaf: {  	[dreg:$0x3] =	wrdreg s24  }
0xb0: {  	[dreg:$0x4] =	wrdreg $0xA8000  }
0xb1: {  	[dreg:$0x5] =	wrdreg $0x9  }
0xb2: {  	_ =	task.clear_ibuf [dreg:s7], $0x6FFFF;
	_ =	strace $0x90000049  }
0xb3: {  	s29 =	simm.s32 $0x9;
	_ =	strace $0x8000004E  }
0xb4: {  	_ =	swait.ge [sflag:s29], $0x1  }
0xb5: {  	[sflag:s29] =	ssyncadd.s32 $0xFFFFFFFF  }
0xb6: {  	_ =	strace $0x9000004E  }
0xb7: {  	_ =	sfence  }
0xb8: {  	s30 =	sld [smem:$0x0];
	_ =	sdelay $0x2  }
0xb9: {  	s31 =	sshll.u32 s1, $0xD;
	s1 =	sshrl.u32 s1, $0x2  }
0xba: {  	s3 =	sand.u32 $0x4000, s31;
	s1 =	sadd.s32 s1, s30  }
0xbb: {  	s0 =	sor.u32 s3, s0;
	s1 =	sshll.u32 s1, $0x11  }
0xbc: {  	s0 =	sor.u32 s1, s0  }
0xbd: {  	s0 =	sadd.s32 $0x8F2B, s0  }
0xbe: {  	[sflag:s0] =	ssyncadd.remote.s32 $0x1  }
0xbf: {  	_ =	sfence.sel $0xFFFF  }
0xc0: {  	[dreg:$0x0] =	wrdreg $0xFFFFFFFF;
	(pc) =	sbr.abs _section_cstart, $3  }
0xc1: {  	[dreg:$0x1] =	wrdreg $0xFFFFFFFF  }
0xc2: {  	_ =	task.clear_ibuf [dreg:s7], $0x2FFFF;
	_ =	strace $0x9FFFFFFF  }
0xc3: {  	(tm) =	ssettm $0x7FFFFFFF  }
tec
execute0_lowered:
.L_overlay_start_1:
0x0: {  	(tag) =	ssettag $0x1  }
0x1: {  	s1 =	rddreg [dreg:$0x0]  }
0x2: {  	s6 =	rddreg [dreg:$0x1]  }
0x3: {  	s2 =	rddreg [dreg:$0x2]  }
0x4: {  	s3 =	srdreg.scid;
	s0 =	rddreg [dreg:$0x3]  }
0x5: {  	s4 =	simm.s32 $0x0;
	s14 =	simm.s32 $0x2800;
	s15 =	simm.s32 $0x1  }
0x6: {  	s16 =	simm.s32 $0x100;
	s17 =	simm.s32 $0x6800;
	s18 =	simm.s32 $0x2  }
0x7: {  	s19 =	simm.s32 $0x3;
	s20 =	simm.s32 $0x4;
	s21 =	simm.s32 $0x2780  }
0x8: {  	s22 =	simm.s32 $0x0;
	s5 =	sand.u32 $0x1, s3;
	s3 =	stileid.u32  }
0x9: {  	[smem:$0x7FF] =	sst s4;
	s9 =	sadd.s32 $0x2E00, s6;
	s7 =	smul.u32 $0x13C000, s5  }
0xa: {  	s8 =	smul.u32 $0x13C00, s3;
	_ =	strace $0x8000004A;
	s10 =	sshll.u32 s3, $0x1  }
0xb: {  	s23 =	smul.u32 $0x4F000, s3;
	s11 =	ssub.s32 $0x2, s5;
	s31 =	sshll.u32 s3, $0x6  }
0xc: {  	s10 =	sor.u32 s5, s10;
	s5 =	sadd.s32 $0x3E000, s6;
	s24 =	sshrl.u32 s11, $0x1  }
0xd: {  	s7 =	sadd.s32 s8, s7;
	s12 =	smul.u32 $0x5000, s10;
	s25 =	sshrl.u32 s23, $0x2  }
0xe: {  	s26 =	smul.u32 $0xA00, s10;
	s11 =	ssub.s32 s11, s24;
	s7 =	sshrl.u32 s7, $0x3  }
0xf: {  	s10 =	sor.u32 $0x1C05, s31;
	s29 =	sadd.s32 s25, s2;
	s13 =	sadd.s32 s7, s6  }
0x10: {  	s28 =	sshrl.u32 s12, $0x3;
	s6 =	sadd.s32 s9, s26;
	s12 =	simm.s32 $0x5  }
0x11: {  	s30 =	sadd.s32 s9, s28;
	s8 =	sadd.s32 $0x40800, s13;
	s9 =	smax.u32 s11, $0x1  }
0x12: {  	s11 =	sshrl.u32 s29, $0x3;
	s13 =	simm.s32 $0x80;
	s7 =	sadd.s32 $0x500, s30  }
.LBB2_1:
0x13: {  	_ =	strace $0x8000004B  }
0x14: {  	[spmem:s11], [sflag:s10] =	dma.local [hbm:s5], $0x2780  }
0x15: {  	_ =	swait.ge [sflag:s12], $0x2780  }
0x16: {  	[sflag:s12] =	ssyncset.done $0x0  }
0x17: {  	[sflag:s12] =	ssyncadd.s32 $0xFFFFD880  }
0x18: {  	[bflag:$0x0] =	sbarrier.arrive $0xFFFF  }
0x19: {  	_ =	strace $0x9000004B  }
0x1a: {  	_ =	strace $0x8000004C  }
0x1b: {  	[tilespmem:s4], [sflag:$0x5] =	stream.linear.gather [hbm4b:s6+s4], $0x2800, $0x200038;
	[tilespmem:$0x1E400] =	vst v63  }
0x1c: {  	_ =	swait.ge [sflag:s12], $0x2800  }
0x1d: {  	[sflag:s12] =	ssyncset.done $0x0  }
0x1e: {  	[sflag:s12] =	ssyncadd.s32 $0xFFFFD800  }
0x1f: {  	[tilespmem:s14], [sflag:$0x1] =	stream.indirect.gather [hbm4b:s1+s13], $0x80, s4, s13, $0x2000b8;
	[tilespmem:$0x1E400] =	vst v63  }
0x20: {  	_ =	swait.ge [sflag:s15], $0x4000  }
0x21: {  	[sflag:s15] =	ssyncset.done $0x0  }
0x22: {  	[sflag:s15] =	ssyncadd.s32 $0xFFFFC000  }
0x23: {  	[spmem:s2] =	stream.indirect.scatter.add.f32 [tilespmem:s14], [sflag:$0x3], $0x80, s13, s13, $0x2000b8;
	[tilespmem:$0x1E400] =	vst v63  }
0x24: {  	_ = 	snop  }
0x25: {  	[tilespmem:s17], [sflag:$0x2] =	stream.indirect.gather [hbm4b:s1+s13], $0x80, s16, s13, $0x2000b8;
	[tilespmem:$0x1E400] =	vst v63  }
0x26: {  	_ =	swait.ge [sflag:s18], $0x4000  }
0x27: {  	[sflag:s18] =	ssyncset.done $0x0  }
0x28: {  	s23 =	simm.s32 $0x180;
	[sflag:s18] =	ssyncadd.s32 $0xFFFFC000  }
0x29: {  	[spmem:s2] =	stream.indirect.scatter.add.f32 [tilespmem:s17], [sflag:$0x4], $0x80, s23, s13, $0x2000b8;
	[tilespmem:$0x1E400] =	vst v63  }
0x2a: {  	_ =	swait.ge [sflag:s19], $0x4000  }
0x2b: {  	[sflag:s19] =	ssyncset.done $0x0  }
0x2c: {  	s30 =	simm.s32 $0x200;
	[sflag:s19] =	ssyncadd.s32 $0xFFFFC000  }
0x2d: {  	[tilespmem:s14], [sflag:$0x1] =	stream.indirect.gather [hbm4b:s1+s13], $0x80, s30, s13, $0x2000b8;
	[tilespmem:$0x1E400] =	vst v63  }
0x2e: {  	_ =	swait.ge [sflag:s15], $0x4000  }
0x2f: {  	[sflag:s15] =	ssyncset.done $0x0  }
0x30: {  	s31 =	simm.s32 $0x280;
	[sflag:s15] =	ssyncadd.s32 $0xFFFFC000  }
0x31: {  	[spmem:s2] =	stream.indirect.scatter.add.f32 [tilespmem:s14], [sflag:$0x3], $0x80, s31, s13, $0x2000b8;
	[tilespmem:$0x1E400] =	vst v63  }
0x32: {  	_ =	swait.ge [sflag:s20], $0x4000  }
0x33: {  	[sflag:s20] =	ssyncset.done $0x0  }
0x34: {  	s24 =	simm.s32 $0x300;
	s23 =	simm.s32 $0xFFFF7000;
	[sflag:s20] =	ssyncadd.s32 $0xFFFFC000  }
.LBB2_2:
0x35: {  	[tilespmem:s17], [sflag:$0x2] =	stream.indirect.gather [hbm4b:s1+s13], $0x80, s24, s13, $0x2000b8;
	[tilespmem:$0x1E400] =	vst v63  }
0x36: {  	s24 =	smov.u32 s23  }
0x37: {  	p0 =	sne.s32 s23, $0xFFFFF800;
	s23 =	sadd.s32 $0x800, s23;
	_ =	swait.ge [sflag:s18], $0x4000  }
0x38: {  	s24 =	sshra.s32 s24, $0x2;
	[sflag:s18] =	ssyncset.done $0x0  }
0x39: {  	s25 =	sadd.s32 $0x2780, s24;
	[sflag:s18] =	ssyncadd.s32 $0xFFFFC000  }
0x3a: {  	[spmem:s2] =	stream.indirect.scatter.add.f32 [tilespmem:s17], [sflag:$0x4], $0x80, s25, s13, $0x2000b8;
	[tilespmem:$0x1E400] =	vst v63  }
0x3b: {  	_ =	swait.ge [sflag:s19], $0x4000  }
0x3c: {  	[sflag:s19] =	ssyncset.done $0x0  }
0x3d: {  	s25 =	sadd.s32 $0x2800, s24;
	[sflag:s19] =	ssyncadd.s32 $0xFFFFC000  }
0x3e: {  	[tilespmem:s14], [sflag:$0x1] =	stream.indirect.gather [hbm4b:s1+s13], $0x80, s25, s13, $0x2000b8;
	[tilespmem:$0x1E400] =	vst v63  }
0x3f: {  	_ =	swait.ge [sflag:s15], $0x4000  }
0x40: {  	[sflag:s15] =	ssyncset.done $0x0  }
.Ltmp0:
0x41: {  	s25 =	sadd.s32 $0x2880, s24;
	[sflag:s15] =	ssyncadd.s32 $0xFFFFC000;
	(pc) =	sbr.rel @p0 .LBB2_2-.Ltmp0, $4  }
0x42: {  	[spmem:s2] =	stream.indirect.scatter.add.f32 [tilespmem:s14], [sflag:$0x3], $0x80, s25, s13, $0x2000b8;
	[tilespmem:$0x1E400] =	vst v63  }
0x43: {  	_ =	swait.ge [sflag:s20], $0x4000  }
0x44: {  	[sflag:s20] =	ssyncset.done $0x0  }
0x45: {  	s24 =	sadd.s32 $0x2900, s24;
	[sflag:s20] =	ssyncadd.s32 $0xFFFFC000  }
0x46: {  	[tilespmem:s17], [sflag:$0x2] =	stream.indirect.gather [hbm4b:s1+s13], $0x80, s24, s13, $0x2000b8;
	[tilespmem:$0x1E400] =	vst v63  }
0x47: {  	_ =	swait.ge [sflag:s18], $0x4000  }
0x48: {  	[sflag:s18] =	ssyncset.done $0x0  }
0x49: {  	[sflag:s18] =	ssyncadd.s32 $0xFFFFC000  }
0x4a: {  	[spmem:s2] =	stream.indirect.scatter.add.f32 [tilespmem:s17], [sflag:$0x4], $0x80, s21, s13, $0x2000b8;
	[tilespmem:$0x1E400] =	vst v63  }
0x4b: {  	_ =	swait.ge [sflag:s19], $0x4000  }
0x4c: {  	[sflag:s19] =	ssyncset.done $0x0  }
0x4d: {  	[sflag:s19] =	ssyncadd.s32 $0xFFFFC000  }
0x4e: {  	_ =	swait.ge [sflag:s20], $0x4000  }
0x4f: {  	[sflag:s20] =	ssyncset.done $0x0  }
0x50: {  	[sflag:s20] =	ssyncadd.s32 $0xFFFFC000  }
0x51: {  	[tilespmem:s4], [sflag:$0x5] =	stream.linear.gather [hbm4b:s7+s4], $0x2800, $0x200038;
	[tilespmem:$0x1E400] =	vst v63  }
0x52: {  	_ =	swait.ge [sflag:s12], $0x2800  }
0x53: {  	[sflag:s12] =	ssyncset.done $0x0  }
0x54: {  	[sflag:s12] =	ssyncadd.s32 $0xFFFFD800  }
0x55: {  	[tilespmem:s14], [sflag:$0x1] =	stream.indirect.gather [hbm4b:s1+s13], $0x80, s4, s13, $0x2000b8;
	[tilespmem:$0x1E400] =	vst v63  }
0x56: {  	_ =	swait.ge [sflag:s15], $0x4000  }
0x57: {  	[sflag:s15] =	ssyncset.done $0x0  }
0x58: {  	[sflag:s15] =	ssyncadd.s32 $0xFFFFC000  }
0x59: {  	[spmem:s2] =	stream.indirect.scatter.add.f32 [tilespmem:s14], [sflag:$0x3], $0x80, s13, s13, $0x2000b8;
	[tilespmem:$0x1E400] =	vst v63  }
0x5a: {  	_ = 	snop  }
0x5b: {  	[tilespmem:s17], [sflag:$0x2] =	stream.indirect.gather [hbm4b:s1+s13], $0x80, s16, s13, $0x2000b8;
	[tilespmem:$0x1E400] =	vst v63  }
0x5c: {  	_ =	swait.ge [sflag:s18], $0x4000  }
0x5d: {  	[sflag:s18] =	ssyncset.done $0x0  }
0x5e: {  	s23 =	simm.s32 $0x180;
	[sflag:s18] =	ssyncadd.s32 $0xFFFFC000  }
0x5f: {  	[spmem:s2] =	stream.indirect.scatter.add.f32 [tilespmem:s17], [sflag:$0x4], $0x80, s23, s13, $0x2000b8;
	[tilespmem:$0x1E400] =	vst v63  }
0x60: {  	_ =	swait.ge [sflag:s19], $0x4000  }
0x61: {  	[sflag:s19] =	ssyncset.done $0x0  }
0x62: {  	s30 =	simm.s32 $0x200;
	[sflag:s19] =	ssyncadd.s32 $0xFFFFC000  }
0x63: {  	[tilespmem:s14], [sflag:$0x1] =	stream.indirect.gather [hbm4b:s1+s13], $0x80, s30, s13, $0x2000b8;
	[tilespmem:$0x1E400] =	vst v63  }
0x64: {  	_ =	swait.ge [sflag:s15], $0x4000  }
0x65: {  	[sflag:s15] =	ssyncset.done $0x0  }
0x66: {  	s31 =	simm.s32 $0x280;
	[sflag:s15] =	ssyncadd.s32 $0xFFFFC000  }
0x67: {  	[spmem:s2] =	stream.indirect.scatter.add.f32 [tilespmem:s14], [sflag:$0x3], $0x80, s31, s13, $0x2000b8;
	[tilespmem:$0x1E400] =	vst v63  }
0x68: {  	_ =	swait.ge [sflag:s20], $0x4000  }
0x69: {  	[sflag:s20] =	ssyncset.done $0x0  }
0x6a: {  	s24 =	simm.s32 $0x300;
	s23 =	simm.s32 $0xFFFF7000;
	[sflag:s20] =	ssyncadd.s32 $0xFFFFC000  }
.LBB2_4:
0x6b: {  	[tilespmem:s17], [sflag:$0x2] =	stream.indirect.gather [hbm4b:s1+s13], $0x80, s24, s13, $0x2000b8;
	[tilespmem:$0x1E400] =	vst v63  }
0x6c: {  	s24 =	smov.u32 s23  }
0x6d: {  	p0 =	sne.s32 s23, $0xFFFFF800;
	s23 =	sadd.s32 $0x800, s23;
	_ =	swait.ge [sflag:s18], $0x4000  }
0x6e: {  	s24 =	sshra.s32 s24, $0x2;
	[sflag:s18] =	ssyncset.done $0x0  }
0x6f: {  	s25 =	sadd.s32 $0x2780, s24;
	[sflag:s18] =	ssyncadd.s32 $0xFFFFC000  }
0x70: {  	[spmem:s2] =	stream.indirect.scatter.add.f32 [tilespmem:s17], [sflag:$0x4], $0x80, s25, s13, $0x2000b8;
	[tilespmem:$0x1E400] =	vst v63  }
0x71: {  	_ =	swait.ge [sflag:s19], $0x4000  }
0x72: {  	[sflag:s19] =	ssyncset.done $0x0  }
0x73: {  	s25 =	sadd.s32 $0x2800, s24;
	[sflag:s19] =	ssyncadd.s32 $0xFFFFC000  }
0x74: {  	[tilespmem:s14], [sflag:$0x1] =	stream.indirect.gather [hbm4b:s1+s13], $0x80, s25, s13, $0x2000b8;
	[tilespmem:$0x1E400] =	vst v63  }
0x75: {  	_ =	swait.ge [sflag:s15], $0x4000  }
0x76: {  	[sflag:s15] =	ssyncset.done $0x0  }
.Ltmp1:
0x77: {  	s25 =	sadd.s32 $0x2880, s24;
	[sflag:s15] =	ssyncadd.s32 $0xFFFFC000;
	(pc) =	sbr.rel @p0 .LBB2_4-.Ltmp1, $4  }
0x78: {  	[spmem:s2] =	stream.indirect.scatter.add.f32 [tilespmem:s14], [sflag:$0x3], $0x80, s25, s13, $0x2000b8;
	[tilespmem:$0x1E400] =	vst v63  }
0x79: {  	_ =	swait.ge [sflag:s20], $0x4000  }
0x7a: {  	[sflag:s20] =	ssyncset.done $0x0  }
0x7b: {  	s24 =	sadd.s32 $0x2900, s24;
	[sflag:s20] =	ssyncadd.s32 $0xFFFFC000  }
0x7c: {  	[tilespmem:s17], [sflag:$0x2] =	stream.indirect.gather [hbm4b:s1+s13], $0x80, s24, s13, $0x2000b8;
	[tilespmem:$0x1E400] =	vst v63  }
0x7d: {  	_ =	swait.ge [sflag:s18], $0x4000  }
0x7e: {  	[sflag:s18] =	ssyncset.done $0x0  }
0x7f: {  	[sflag:s18] =	ssyncadd.s32 $0xFFFFC000  }
0x80: {  	[spmem:s2] =	stream.indirect.scatter.add.f32 [tilespmem:s17], [sflag:$0x4], $0x80, s21, s13, $0x2000b8;
	[tilespmem:$0x1E400] =	vst v63  }
0x81: {  	_ =	swait.ge [sflag:s19], $0x4000  }
0x82: {  	[sflag:s19] =	ssyncset.done $0x0  }
0x83: {  	[sflag:s19] =	ssyncadd.s32 $0xFFFFC000  }
0x84: {  	_ =	swait.ge [sflag:s20], $0x4000  }
0x85: {  	[sflag:s20] =	ssyncset.done $0x0  }
0x86: {  	[sflag:s20] =	ssyncadd.s32 $0xFFFFC000  }
0x87: {  	[bflag:$0x0] =	sbarrier.arrive $0xFFFF  }
0x88: {  	s22 =	sadd.s32 $0x1, s22;
	_ =	strace $0x9000004C  }
0x89: {  	p0 =	sne.s32 s22, s9;
	_ =	strace $0x8000004D  }
0x8a: {  	[hbm:s8], [sflag:s10] =	dma.local [spmem:s11], $0x2780  }
.Ltmp2:
0x8b: {  	_ = 	snop;
	(pc) =	sbr.rel @p0 .LBB2_1-.Ltmp2, $4  }
0x8c: {  	_ =	swait.ge [sflag:s12], $0x2780  }
0x8d: {  	[sflag:s12] =	ssyncset.done $0x0  }
0x8e: {  	[sflag:s12] =	ssyncadd.s32 $0xFFFFD880  }
0x8f: {  	_ =	strace $0x9000004D  }
0x90: {  	_ =	sfence.sel $0x180000  }
0x91: {  	[bflag:$0x0] =	sbarrier.arrive $0xFFFF  }
0x92: {  	p0 =	sne.s32 s3, $0x0;
	_ =	strace $0x9000004A  }
0x93: {  	s0 =	sadd.s32 @!p0 $0x100000, s0;
	[bflag:$0x2] =	sbarrier.arrive $0xFFFF  }
0x94: {  	[sflag:s0] =	ssyncadd.tile.s32 @!p0 $0x1;
	_ =	shalt  }
.Lfunc_end2:
_tile_overlayer_lowered:
.L_overlay_start_2:
0x95: {  	(tag) =	ssettag $0x2  }
0x96: {  	s0 =	rddreg [dreg:$0x0];
	s2 =	stileid.u32  }
0x97: {  	s1 =	rddreg [dreg:$0x1];
	p0 =	sne.s32 s2, $0x0  }
0x98: {  	s3 =	rddreg [dreg:$0x2];
	[bflag:$0x3] =	sbarrier.arrive $0xFFFF;
	s2 =	simm.s32 @!p0 $0x1C05  }
0x99: {  	[timem:s3], [sflag:s2] =	dma.local @!p0 [hbm:s0], s1  }
0x9a: {  	s0 =	simm.s32 @!p0 $0x5  }
0x9b: {  	_ =	swait.ge @!p0 [sflag:s0], s1  }
0x9c: {  	s1 =	ssub.s32 @!p0 $0x0, s1;
	[sflag:s0] =	ssyncset.done @!p0 $0x0  }
0x9d: {  	[sflag:s0] =	ssyncadd.s32 @!p0 s1  }
0x9e: {  	[bflag:$0x3] =	sbarrier.arrive $0xFFFF  }
0x9f: {  	_ =	shalt  }

// kernel: kernel.14.cloned.1.call-start
scs
__scs_entry_jumppad:
0x0: {  	(pc) =	sbr.rel $0x88, $3  }
0x1: {  	(tag) =	ssettag $0x0;
	lr =	simm.s32 $0x1  }
0x2: {  	[smem:$0x3F9B] =	sst lr;
	_ =	strace $0xD0000000  }
0x3: {  	_ = 	snop  }
0x4: {  	_ = 	snop  }
0x5: {  	_ = 	snop  }
0x6: {  	_ = 	snop  }
0x7: {  	_ = 	snop  }
__scs_overlays_trampoline_lowered:
0x8: {  	[smem:$0x3FAA] =	sst s0  }
0x9: {  	[smem:$0x3FAB] =	sst s1  }
0xa: {  	[smem:$0x3FAC] =	sst s2  }
0xb: {  	[smem:$0x3FAD] =	sst s3  }
0xc: {  	[smem:$0x3FAE] =	sst s4  }
0xd: {  	[smem:$0x3FAF] =	sst s5  }
0xe: {  	[smem:$0x3FB0] =	sst s6  }
0xf: {  	[smem:$0x3FB1] =	sst s7  }
0x10: {  	[smem:$0x3FB2] =	sst s8  }
0x11: {  	[smem:$0x3FB3] =	sst s9;
	s0 =	simm.s32 @!p0 $0x0  }
0x12: {  	s1 =	sld [smem:$0x3F99];
	s0 =	simm.s32 @p0 $0x1  }
0x13: {  	[smem:$0x3FB4] =	sst s0;
	s0 =	simm.s32 @!p1 $0x0  }
0x14: {  	s2 =	sld [smem:$0x3F98];
	s0 =	simm.s32 @p1 $0x1  }
0x15: {  	[smem:$0x3FB5] =	sst s0;
	s0 =	simm.s32 @!p2 $0x0  }
0x16: {  	s3 =	sld [smem:$0x3FDB];
	s0 =	simm.s32 @p2 $0x1  }
0x17: {  	s4 =	simm.s32 $0x1BF5;
	[smem:$0x3FB7] =	sst s0  }
0x18: {  	s0 =	sld [smem:$0x3F9A];
	_ =	swait.ge [sflag:s4], $0x0  }
0x19: {  	s7 =	sld [smem:$0x3F9B]  }
0x1a: {  	s8 =	sadd.s32 $0xFFFFE003, lr  }
0x1b: {  	s9 =	sadd.s32 $0xFFFFFEF7, lr;
	s5 =	simm.s32 $0xFFFFFFFF;
	p2 =	slt.u32 s8, $0xFFFFF086  }
0x1c: {  	p1 =	slt.u32 s9, $0xF7A;
	s5 =	simm.s32 @!p2 $0x0  }
0x1d: {  	s5 =	simm.s32 @p1 $0x1;
	p0 =	seq.s32 s7, s2  }
0x1e: {  	s7 =	smul.u32 @!p0 $0xF7A, s2;
	p2 =	seq.s32 @!p0 s5, $0x0  }
0x1f: {  	s9 =	smul.u32 $0xF7A, s1;
	s8 =	simm.s32 @!p0 $0x1BF5;
	p2 =	por !p2, p0  }
0x20: {  	[sflag:s8] =	ssyncset.s32 @!p0 $0xFFFFF086;
	s6 =	sadd.s32 @!p0 s3, s7;
	s7 =	simm.s32 @!p0 $0x108  }
0x21: {  	s3 =	sadd.s32 s3, s9;
	s6 =	sadd.s32 @!p0 $0x88, s6;
	s7 =	simm.s32 @p2 $0x1082  }
0x22: {  	[simem:s7], [sflag:s8] =	dma.local @!p0 [hbm:s6], $0xF7A  }
0x23: {  	s9 =	sor.u32 $0xD0000000, s2;
	s6 =	simm.s32 $0x108;
	_ =	swait.ge @!p0 [sflag:s8], $0x0  }
0x24: {  	s3 =	sadd.s32 $0x88, s3;
	s6 =	simm.s32 @!p1 $0x1082;
	[sflag:s4] =	ssyncset.s32 $0xFFFFF086  }
0x25: {  	[simem:s6], [sflag:s4] =	dma.local [hbm:s3], $0xF7A  }
0x26: {  	[smem:$0x3F9B] =	sst s1;
	(tag) =	ssettag s2;
	_ =	strace s9  }
0x27: {  	s1 =	sld [smem:$0x3FAB]  }
0x28: {  	s2 =	sld [smem:$0x3FAC]  }
0x29: {  	s4 =	sld [smem:$0x3FAE]  }
0x2a: {  	p0 =	seq.s32 s5, $0x0;
	s5 =	sld [smem:$0x3FAF]  }
0x2b: {  	s6 =	sld [smem:$0x3FB0]  }
0x2c: {  	s7 =	sld [smem:$0x3FB1]  }
0x2d: {  	s3 =	simm.s32 $0x108;
	s8 =	sld [smem:$0x3FB2]  }
0x2e: {  	s3 =	simm.s32 @!p0 $0x1082;
	s9 =	sld [smem:$0x3FB3]  }
0x2f: {  	lr =	sadd.s32 s0, s3;
	s0 =	sld [smem:$0x3FAA]  }
0x30: {  	s3 =	sld [smem:$0x3FAD]  }
0x31: {  	[smem:$0x3FB6] =	sst s10  }
0x32: {  	s10 =	sld [smem:$0x3FB4];
	_ =	sdelay $0x3  }
0x33: {  	p0 =	seq.s32 s10, $0x1;
	s10 =	sld [smem:$0x3FB6];
	_ =	sdelay $0x3  }
0x34: {  	[smem:$0x3FB6] =	sst s10  }
0x35: {  	s10 =	sld [smem:$0x3FB5];
	_ =	sdelay $0x3  }
0x36: {  	p1 =	seq.s32 s10, $0x1;
	s10 =	sld [smem:$0x3FB6];
	_ =	sdelay $0x3  }
0x37: {  	[smem:$0x3FB6] =	sst s10  }
0x38: {  	s10 =	sld [smem:$0x3FB7]  }
0x39: {  	_ = 	snop;
	(pc) =	sbr.ind lr, $3  }
0x3a: {  	_ = 	snop  }
0x3b: {  	_ = 	snop  }
0x3c: {  	p2 =	seq.s32 s10, $0x1;
	s10 =	sld [smem:$0x3FB6]  }
0x3d: {  	_ =	shalt  }
0x3e: {  	_ =	shalt  }
0x3f: {  	_ =	shalt  }
0x40: {  	_ =	shalt  }
0x41: {  	_ =	shalt  }
0x42: {  	_ =	shalt  }
0x43: {  	_ =	shalt  }
0x44: {  	_ =	shalt  }
0x45: {  	_ =	shalt  }
0x46: {  	_ =	shalt  }
0x47: {  	_ =	shalt  }
0x48: {  	_ =	shalt  }
0x49: {  	_ =	shalt  }
0x4a: {  	_ =	shalt  }
0x4b: {  	_ =	shalt  }
0x4c: {  	_ =	shalt  }
0x4d: {  	_ =	shalt  }
0x4e: {  	_ =	shalt  }
0x4f: {  	_ =	shalt  }
0x50: {  	_ =	shalt  }
0x51: {  	_ =	shalt  }
0x52: {  	_ =	shalt  }
0x53: {  	_ =	shalt  }
0x54: {  	_ =	shalt  }
0x55: {  	_ =	shalt  }
0x56: {  	_ =	shalt  }
0x57: {  	_ =	shalt  }
0x58: {  	_ =	shalt  }
0x59: {  	_ =	shalt  }
0x5a: {  	_ =	shalt  }
0x5b: {  	_ =	shalt  }
0x5c: {  	_ =	shalt  }
0x5d: {  	_ =	shalt  }
0x5e: {  	_ =	shalt  }
0x5f: {  	_ =	shalt  }
0x60: {  	_ =	shalt  }
0x61: {  	_ =	shalt  }
0x62: {  	_ =	shalt  }
0x63: {  	_ =	shalt  }
0x64: {  	_ =	shalt  }
0x65: {  	_ =	shalt  }
0x66: {  	_ =	shalt  }
0x67: {  	_ =	shalt  }
0x68: {  	_ =	shalt  }
0x69: {  	_ =	shalt  }
0x6a: {  	_ =	shalt  }
0x6b: {  	_ =	shalt  }
0x6c: {  	_ =	shalt  }
0x6d: {  	_ =	shalt  }
0x6e: {  	_ =	shalt  }
0x6f: {  	_ =	shalt  }
0x70: {  	_ =	shalt  }
0x71: {  	_ =	shalt  }
0x72: {  	_ =	shalt  }
0x73: {  	_ =	shalt  }
0x74: {  	_ =	shalt  }
0x75: {  	_ =	shalt  }
0x76: {  	_ =	shalt  }
0x77: {  	_ =	shalt  }
0x78: {  	_ =	shalt  }
0x79: {  	_ =	shalt  }
0x7a: {  	_ =	shalt  }
0x7b: {  	_ =	shalt  }
0x7c: {  	_ =	shalt  }
0x7d: {  	_ =	shalt  }
0x7e: {  	_ =	shalt  }
0x7f: {  	_ =	shalt  }
0x80: {  	_ =	shalt  }
0x81: {  	_ =	shalt  }
0x82: {  	_ =	shalt  }
0x83: {  	_ =	shalt  }
0x84: {  	_ =	shalt  }
0x85: {  	_ =	shalt  }
0x86: {  	_ =	shalt  }
0x87: {  	_ =	shalt  }
.Lfunc_end0:
.L_simem_size_0:
called_computation.2_lowered:
.L_overlay_start_0:
0x88: {  	s2 =	sld [smem:$0x3FD9]  }
0x89: {  	s3 =	sld [smem:$0x3FFE];
	_ =	sdelay $0x1  }
0x8a: {  	s1 =	srdreg.scid  }
0x8b: {  	s0 =	sand.u32 $0x1, s1  }
0x8c: {  	s17 =	sshll.u32 s0, $0xA;
	s2 =	sadd.s32 s3, s2  }
0x8d: {  	s2 =	sadd.s32 s2, s17  }
0x8e: {  	[smem:$0x3FC2] =	sst s2  }
0x8f: {  	_ = 	snop  }
0x90: {  	s2 =	sld [smem:$0x3FD0];
	(tm) =	ssettm $0x1  }
0x91: {  	s18 =	sld [smem:$0x3FFB];
	_ =	sdelay $0x3  }
0x92: {  	_ =	strace s18  }
0x93: {  	s3 =	sld [smem:$0x3FFC];
	_ =	sdelay $0x3  }
0x94: {  	_ =	strace s3  }
0x95: {  	s3 =	sld [smem:$0x3FFD];
	_ =	sdelay $0x3  }
0x96: {  	_ =	strace s3  }
0x97: {  	_ =	strace $0x8FFFFFFF  }
0x98: {  	s19 =	sld [smem:$0x3FDB];
	_ =	sdelay $0x1  }
0x99: {  	s4 =	simm.s32 $_scs_section_size  }
0x9a: {  	s5 =	simm.s32 $_size__tile_overlayer_lowered;
	s6 =	simm.s32 $_tile_overlayer_lowered  }
0x9b: {  	s22 =	simm.s32 $0x1BFF;
	s21 =	sshll.u32 s6, $0x1;
	s3 =	sadd.s32 s4, s19  }
0x9c: {  	s7 =	simm.s32 $0x0;
	s20 =	sshll.u32 s5, $0x1;
	s5 =	sadd.s32 s21, s3  }
0x9d: {  	[timem:s7], [sflag:s22] =	dma.local [hbm:s5], s20  }
0x9e: {  	_ =	swait.ge [sflag:s22], s20  }
0x9f: {  	s4 =	ssub.s32 $0x0, s20;
	[sflag:s22] =	ssyncset.done $0x0  }
0xa0: {  	[sflag:s22] =	ssyncadd.s32 s4;
	_ =	sdelay $0x1  }
0xa1: {  	s23 =	simm.s32 $0x1B8B  }
0xa2: {  	_ =	swait.ge [sflag:s23], $0x1  }
0xa3: {  	[sflag:s23] =	ssyncset.done $0x0  }
0xa4: {  	s25 =	simm.s32 $0x1B8E;
	s24 =	sld [smem:$0x3FFE];
	[sflag:s23] =	ssyncadd.s32 $0xFFFFFFFF  }
0xa5: {  	s26 =	simm.s32 $execute0_lowered;
	[smem:$0x3FD2] =	sst s25  }
0xa6: {  	s5 =	sshll.u32 s26, $0x1;
	_ =	strace $0x8000004F;
	[dreg:$0x1] =	wrdreg $0xFFFFFFFF  }
0xa7: {  	s28 =	simm.s32 $_size_execute0_lowered;
	s3 =	sadd.s32 s3, s5;
	[dreg:$0x0] =	wrdreg $0x0  }
0xa8: {  	s5 =	sshll.u32 s28, $0x1;
	[dreg:$0x2] =	wrdreg s3  }
0xa9: {  	[dreg:$0x3] =	wrdreg s5  }
0xaa: {  	[dreg:$0x4] =	wrdreg $0xC0  }
0xab: {  	_ =	task [dreg:s7], $0x5FFFF  }
0xac: {  	[dreg:$0x1] =	wrdreg $0xFFFFFFFF  }
0xad: {  	[dreg:$0x0] =	wrdreg $0x60  }
0xae: {  	[dreg:$0x2] =	wrdreg s2  }
0xaf: {  	[dreg:$0x3] =	wrdreg s24  }
0xb0: {  	[dreg:$0x4] =	wrdreg $0xA8000  }
0xb1: {  	[dreg:$0x5] =	wrdreg $0x9  }
0xb2: {  	_ =	task.clear_ibuf [dreg:s7], $0x6FFFF;
	_ =	strace $0x9000004F  }
0xb3: {  	s29 =	simm.s32 $0x9;
	_ =	strace $0x80000054  }
0xb4: {  	_ =	swait.ge [sflag:s29], $0x1  }
0xb5: {  	[sflag:s29] =	ssyncadd.s32 $0xFFFFFFFF  }
0xb6: {  	_ =	strace $0x90000054  }
0xb7: {  	_ =	sfence  }
0xb8: {  	s30 =	sld [smem:$0x0];
	_ =	sdelay $0x2  }
0xb9: {  	s31 =	sshll.u32 s1, $0xD;
	s1 =	sshrl.u32 s1, $0x2  }
0xba: {  	s3 =	sand.u32 $0x4000, s31;
	s1 =	sadd.s32 s1, s30  }
0xbb: {  	s0 =	sor.u32 s3, s0;
	s1 =	sshll.u32 s1, $0x11  }
0xbc: {  	s0 =	sor.u32 s1, s0  }
0xbd: {  	s0 =	sadd.s32 $0x8F2B, s0  }
0xbe: {  	[sflag:s0] =	ssyncadd.remote.s32 $0x1  }
0xbf: {  	_ =	sfence.sel $0xFFFF  }
0xc0: {  	[dreg:$0x0] =	wrdreg $0xFFFFFFFF;
	(pc) =	sbr.abs _section_cstart, $3  }
0xc1: {  	[dreg:$0x1] =	wrdreg $0xFFFFFFFF  }
0xc2: {  	_ =	task.clear_ibuf [dreg:s7], $0x2FFFF;
	_ =	strace $0x9FFFFFFF  }
0xc3: {  	(tm) =	ssettm $0x7FFFFFFF  }
tec
execute0_lowered:
.L_overlay_start_1:
0x0: {  	(tag) =	ssettag $0x1  }
0x1: {  	s1 =	rddreg [dreg:$0x0]  }
0x2: {  	s6 =	rddreg [dreg:$0x1]  }
0x3: {  	s2 =	rddreg [dreg:$0x2]  }
0x4: {  	s3 =	srdreg.scid;
	s0 =	rddreg [dreg:$0x3]  }
0x5: {  	s4 =	simm.s32 $0x0;
	s14 =	simm.s32 $0x2800;
	s15 =	simm.s32 $0x1  }
0x6: {  	s16 =	simm.s32 $0x100;
	s17 =	simm.s32 $0x6800;
	s18 =	simm.s32 $0x2  }
0x7: {  	s19 =	simm.s32 $0x3;
	s20 =	simm.s32 $0x4;
	s21 =	simm.s32 $0x2780  }
0x8: {  	s22 =	simm.s32 $0x0;
	s5 =	sand.u32 $0x1, s3;
	s3 =	stileid.u32  }
0x9: {  	[smem:$0x7FF] =	sst s4;
	s9 =	sadd.s32 $0x2E00, s6;
	s7 =	smul.u32 $0x13C000, s5  }
0xa: {  	s8 =	smul.u32 $0x13C00, s3;
	_ =	strace $0x80000050;
	s10 =	sshll.u32 s3, $0x1  }
0xb: {  	s23 =	smul.u32 $0x4F000, s3;
	s11 =	ssub.s32 $0x2, s5;
	s31 =	sshll.u32 s3, $0x6  }
0xc: {  	s10 =	sor.u32 s5, s10;
	s5 =	sadd.s32 $0x3E000, s6;
	s24 =	sshrl.u32 s11, $0x1  }
0xd: {  	s7 =	sadd.s32 s8, s7;
	s12 =	smul.u32 $0x5000, s10;
	s25 =	sshrl.u32 s23, $0x2  }
0xe: {  	s26 =	smul.u32 $0xA00, s10;
	s11 =	ssub.s32 s11, s24;
	s7 =	sshrl.u32 s7, $0x3  }
0xf: {  	s10 =	sor.u32 $0x1C05, s31;
	s29 =	sadd.s32 s25, s2;
	s13 =	sadd.s32 s7, s6  }
0x10: {  	s28 =	sshrl.u32 s12, $0x3;
	s6 =	sadd.s32 s9, s26;
	s12 =	simm.s32 $0x5  }
0x11: {  	s30 =	sadd.s32 s9, s28;
	s8 =	sadd.s32 $0x40800, s13;
	s9 =	smax.u32 s11, $0x1  }
0x12: {  	s11 =	sshrl.u32 s29, $0x3;
	s13 =	simm.s32 $0x80;
	s7 =	sadd.s32 $0x500, s30  }
.LBB2_1:
0x13: {  	_ =	strace $0x80000051  }
0x14: {  	[spmem:s11], [sflag:s10] =	dma.local [hbm:s5], $0x2780  }
0x15: {  	_ =	swait.ge [sflag:s12], $0x2780  }
0x16: {  	[sflag:s12] =	ssyncset.done $0x0  }
0x17: {  	[sflag:s12] =	ssyncadd.s32 $0xFFFFD880  }
0x18: {  	[bflag:$0x0] =	sbarrier.arrive $0xFFFF  }
0x19: {  	_ =	strace $0x90000051  }
0x1a: {  	_ =	strace $0x80000052  }
0x1b: {  	[tilespmem:s4], [sflag:$0x5] =	stream.linear.gather [hbm4b:s6+s4], $0x2800, $0x200038;
	[tilespmem:$0x1E400] =	vst v63  }
0x1c: {  	_ =	swait.ge [sflag:s12], $0x2800  }
0x1d: {  	[sflag:s12] =	ssyncset.done $0x0  }
0x1e: {  	[sflag:s12] =	ssyncadd.s32 $0xFFFFD800  }
0x1f: {  	[tilespmem:s14], [sflag:$0x1] =	stream.indirect.gather [hbm4b:s1+s13], $0x80, s4, s13, $0x2000b8;
	[tilespmem:$0x1E400] =	vst v63  }
0x20: {  	_ =	swait.ge [sflag:s15], $0x4000  }
0x21: {  	[sflag:s15] =	ssyncset.done $0x0  }
0x22: {  	[sflag:s15] =	ssyncadd.s32 $0xFFFFC000  }
0x23: {  	[spmem:s2] =	stream.indirect.scatter.add.f32 [tilespmem:s14], [sflag:$0x3], $0x80, s13, s13, $0x2000b8;
	[tilespmem:$0x1E400] =	vst v63  }
0x24: {  	_ = 	snop  }
0x25: {  	[tilespmem:s17], [sflag:$0x2] =	stream.indirect.gather [hbm4b:s1+s13], $0x80, s16, s13, $0x2000b8;
	[tilespmem:$0x1E400] =	vst v63  }
0x26: {  	_ =	swait.ge [sflag:s18], $0x4000  }
0x27: {  	[sflag:s18] =	ssyncset.done $0x0  }
0x28: {  	s23 =	simm.s32 $0x180;
	[sflag:s18] =	ssyncadd.s32 $0xFFFFC000  }
0x29: {  	[spmem:s2] =	stream.indirect.scatter.add.f32 [tilespmem:s17], [sflag:$0x4], $0x80, s23, s13, $0x2000b8;
	[tilespmem:$0x1E400] =	vst v63  }
0x2a: {  	_ =	swait.ge [sflag:s19], $0x4000  }
0x2b: {  	[sflag:s19] =	ssyncset.done $0x0  }
0x2c: {  	s30 =	simm.s32 $0x200;
	[sflag:s19] =	ssyncadd.s32 $0xFFFFC000  }
0x2d: {  	[tilespmem:s14], [sflag:$0x1] =	stream.indirect.gather [hbm4b:s1+s13], $0x80, s30, s13, $0x2000b8;
	[tilespmem:$0x1E400] =	vst v63  }
0x2e: {  	_ =	swait.ge [sflag:s15], $0x4000  }
0x2f: {  	[sflag:s15] =	ssyncset.done $0x0  }
0x30: {  	s31 =	simm.s32 $0x280;
	[sflag:s15] =	ssyncadd.s32 $0xFFFFC000  }
0x31: {  	[spmem:s2] =	stream.indirect.scatter.add.f32 [tilespmem:s14], [sflag:$0x3], $0x80, s31, s13, $0x2000b8;
	[tilespmem:$0x1E400] =	vst v63  }
0x32: {  	_ =	swait.ge [sflag:s20], $0x4000  }
0x33: {  	[sflag:s20] =	ssyncset.done $0x0  }
0x34: {  	s24 =	simm.s32 $0x300;
	s23 =	simm.s32 $0xFFFF7000;
	[sflag:s20] =	ssyncadd.s32 $0xFFFFC000  }
.LBB2_2:
0x35: {  	[tilespmem:s17], [sflag:$0x2] =	stream.indirect.gather [hbm4b:s1+s13], $0x80, s24, s13, $0x2000b8;
	[tilespmem:$0x1E400] =	vst v63  }
0x36: {  	s24 =	smov.u32 s23  }
0x37: {  	p0 =	sne.s32 s23, $0xFFFFF800;
	s23 =	sadd.s32 $0x800, s23;
	_ =	swait.ge [sflag:s18], $0x4000  }
0x38: {  	s24 =	sshra.s32 s24, $0x2;
	[sflag:s18] =	ssyncset.done $0x0  }
0x39: {  	s25 =	sadd.s32 $0x2780, s24;
	[sflag:s18] =	ssyncadd.s32 $0xFFFFC000  }
0x3a: {  	[spmem:s2] =	stream.indirect.scatter.add.f32 [tilespmem:s17], [sflag:$0x4], $0x80, s25, s13, $0x2000b8;
	[tilespmem:$0x1E400] =	vst v63  }
0x3b: {  	_ =	swait.ge [sflag:s19], $0x4000  }
0x3c: {  	[sflag:s19] =	ssyncset.done $0x0  }
0x3d: {  	s25 =	sadd.s32 $0x2800, s24;
	[sflag:s19] =	ssyncadd.s32 $0xFFFFC000  }
0x3e: {  	[tilespmem:s14], [sflag:$0x1] =	stream.indirect.gather [hbm4b:s1+s13], $0x80, s25, s13, $0x2000b8;
	[tilespmem:$0x1E400] =	vst v63  }
0x3f: {  	_ =	swait.ge [sflag:s15], $0x4000  }
0x40: {  	[sflag:s15] =	ssyncset.done $0x0  }
.Ltmp0:
0x41: {  	s25 =	sadd.s32 $0x2880, s24;
	[sflag:s15] =	ssyncadd.s32 $0xFFFFC000;
	(pc) =	sbr.rel @p0 .LBB2_2-.Ltmp0, $4  }
0x42: {  	[spmem:s2] =	stream.indirect.scatter.add.f32 [tilespmem:s14], [sflag:$0x3], $0x80, s25, s13, $0x2000b8;
	[tilespmem:$0x1E400] =	vst v63  }
0x43: {  	_ =	swait.ge [sflag:s20], $0x4000  }
0x44: {  	[sflag:s20] =	ssyncset.done $0x0  }
0x45: {  	s24 =	sadd.s32 $0x2900, s24;
	[sflag:s20] =	ssyncadd.s32 $0xFFFFC000  }
0x46: {  	[tilespmem:s17], [sflag:$0x2] =	stream.indirect.gather [hbm4b:s1+s13], $0x80, s24, s13, $0x2000b8;
	[tilespmem:$0x1E400] =	vst v63  }
0x47: {  	_ =	swait.ge [sflag:s18], $0x4000  }
0x48: {  	[sflag:s18] =	ssyncset.done $0x0  }
0x49: {  	[sflag:s18] =	ssyncadd.s32 $0xFFFFC000  }
0x4a: {  	[spmem:s2] =	stream.indirect.scatter.add.f32 [tilespmem:s17], [sflag:$0x4], $0x80, s21, s13, $0x2000b8;
	[tilespmem:$0x1E400] =	vst v63  }
0x4b: {  	_ =	swait.ge [sflag:s19], $0x4000  }
0x4c: {  	[sflag:s19] =	ssyncset.done $0x0  }
0x4d: {  	[sflag:s19] =	ssyncadd.s32 $0xFFFFC000  }
0x4e: {  	_ =	swait.ge [sflag:s20], $0x4000  }
0x4f: {  	[sflag:s20] =	ssyncset.done $0x0  }
0x50: {  	[sflag:s20] =	ssyncadd.s32 $0xFFFFC000  }
0x51: {  	[tilespmem:s4], [sflag:$0x5] =	stream.linear.gather [hbm4b:s7+s4], $0x2800, $0x200038;
	[tilespmem:$0x1E400] =	vst v63  }
0x52: {  	_ =	swait.ge [sflag:s12], $0x2800  }
0x53: {  	[sflag:s12] =	ssyncset.done $0x0  }
0x54: {  	[sflag:s12] =	ssyncadd.s32 $0xFFFFD800  }
0x55: {  	[tilespmem:s14], [sflag:$0x1] =	stream.indirect.gather [hbm4b:s1+s13], $0x80, s4, s13, $0x2000b8;
	[tilespmem:$0x1E400] =	vst v63  }
0x56: {  	_ =	swait.ge [sflag:s15], $0x4000  }
0x57: {  	[sflag:s15] =	ssyncset.done $0x0  }
0x58: {  	[sflag:s15] =	ssyncadd.s32 $0xFFFFC000  }
0x59: {  	[spmem:s2] =	stream.indirect.scatter.add.f32 [tilespmem:s14], [sflag:$0x3], $0x80, s13, s13, $0x2000b8;
	[tilespmem:$0x1E400] =	vst v63  }
0x5a: {  	_ = 	snop  }
0x5b: {  	[tilespmem:s17], [sflag:$0x2] =	stream.indirect.gather [hbm4b:s1+s13], $0x80, s16, s13, $0x2000b8;
	[tilespmem:$0x1E400] =	vst v63  }
0x5c: {  	_ =	swait.ge [sflag:s18], $0x4000  }
0x5d: {  	[sflag:s18] =	ssyncset.done $0x0  }
0x5e: {  	s23 =	simm.s32 $0x180;
	[sflag:s18] =	ssyncadd.s32 $0xFFFFC000  }
0x5f: {  	[spmem:s2] =	stream.indirect.scatter.add.f32 [tilespmem:s17], [sflag:$0x4], $0x80, s23, s13, $0x2000b8;
	[tilespmem:$0x1E400] =	vst v63  }
0x60: {  	_ =	swait.ge [sflag:s19], $0x4000  }
0x61: {  	[sflag:s19] =	ssyncset.done $0x0  }
0x62: {  	s30 =	simm.s32 $0x200;
	[sflag:s19] =	ssyncadd.s32 $0xFFFFC000  }
0x63: {  	[tilespmem:s14], [sflag:$0x1] =	stream.indirect.gather [hbm4b:s1+s13], $0x80, s30, s13, $0x2000b8;
	[tilespmem:$0x1E400] =	vst v63  }
0x64: {  	_ =	swait.ge [sflag:s15], $0x4000  }
0x65: {  	[sflag:s15] =	ssyncset.done $0x0  }
0x66: {  	s31 =	simm.s32 $0x280;
	[sflag:s15] =	ssyncadd.s32 $0xFFFFC000  }
0x67: {  	[spmem:s2] =	stream.indirect.scatter.add.f32 [tilespmem:s14], [sflag:$0x3], $0x80, s31, s13, $0x2000b8;
	[tilespmem:$0x1E400] =	vst v63  }
0x68: {  	_ =	swait.ge [sflag:s20], $0x4000  }
0x69: {  	[sflag:s20] =	ssyncset.done $0x0  }
0x6a: {  	s24 =	simm.s32 $0x300;
	s23 =	simm.s32 $0xFFFF7000;
	[sflag:s20] =	ssyncadd.s32 $0xFFFFC000  }
.LBB2_4:
0x6b: {  	[tilespmem:s17], [sflag:$0x2] =	stream.indirect.gather [hbm4b:s1+s13], $0x80, s24, s13, $0x2000b8;
	[tilespmem:$0x1E400] =	vst v63  }
0x6c: {  	s24 =	smov.u32 s23  }
0x6d: {  	p0 =	sne.s32 s23, $0xFFFFF800;
	s23 =	sadd.s32 $0x800, s23;
	_ =	swait.ge [sflag:s18], $0x4000  }
0x6e: {  	s24 =	sshra.s32 s24, $0x2;
	[sflag:s18] =	ssyncset.done $0x0  }
0x6f: {  	s25 =	sadd.s32 $0x2780, s24;
	[sflag:s18] =	ssyncadd.s32 $0xFFFFC000  }
0x70: {  	[spmem:s2] =	stream.indirect.scatter.add.f32 [tilespmem:s17], [sflag:$0x4], $0x80, s25, s13, $0x2000b8;
	[tilespmem:$0x1E400] =	vst v63  }
0x71: {  	_ =	swait.ge [sflag:s19], $0x4000  }
0x72: {  	[sflag:s19] =	ssyncset.done $0x0  }
0x73: {  	s25 =	sadd.s32 $0x2800, s24;
	[sflag:s19] =	ssyncadd.s32 $0xFFFFC000  }
0x74: {  	[tilespmem:s14], [sflag:$0x1] =	stream.indirect.gather [hbm4b:s1+s13], $0x80, s25, s13, $0x2000b8;
	[tilespmem:$0x1E400] =	vst v63  }
0x75: {  	_ =	swait.ge [sflag:s15], $0x4000  }
0x76: {  	[sflag:s15] =	ssyncset.done $0x0  }
.Ltmp1:
0x77: {  	s25 =	sadd.s32 $0x2880, s24;
	[sflag:s15] =	ssyncadd.s32 $0xFFFFC000;
	(pc) =	sbr.rel @p0 .LBB2_4-.Ltmp1, $4  }
0x78: {  	[spmem:s2] =	stream.indirect.scatter.add.f32 [tilespmem:s14], [sflag:$0x3], $0x80, s25, s13, $0x2000b8;
	[tilespmem:$0x1E400] =	vst v63  }
0x79: {  	_ =	swait.ge [sflag:s20], $0x4000  }
0x7a: {  	[sflag:s20] =	ssyncset.done $0x0  }
0x7b: {  	s24 =	sadd.s32 $0x2900, s24;
	[sflag:s20] =	ssyncadd.s32 $0xFFFFC000  }
0x7c: {  	[tilespmem:s17], [sflag:$0x2] =	stream.indirect.gather [hbm4b:s1+s13], $0x80, s24, s13, $0x2000b8;
	[tilespmem:$0x1E400] =	vst v63  }
0x7d: {  	_ =	swait.ge [sflag:s18], $0x4000  }
0x7e: {  	[sflag:s18] =	ssyncset.done $0x0  }
0x7f: {  	[sflag:s18] =	ssyncadd.s32 $0xFFFFC000  }
0x80: {  	[spmem:s2] =	stream.indirect.scatter.add.f32 [tilespmem:s17], [sflag:$0x4], $0x80, s21, s13, $0x2000b8;
	[tilespmem:$0x1E400] =	vst v63  }
0x81: {  	_ =	swait.ge [sflag:s19], $0x4000  }
0x82: {  	[sflag:s19] =	ssyncset.done $0x0  }
0x83: {  	[sflag:s19] =	ssyncadd.s32 $0xFFFFC000  }
0x84: {  	_ =	swait.ge [sflag:s20], $0x4000  }
0x85: {  	[sflag:s20] =	ssyncset.done $0x0  }
0x86: {  	[sflag:s20] =	ssyncadd.s32 $0xFFFFC000  }
0x87: {  	[bflag:$0x0] =	sbarrier.arrive $0xFFFF  }
0x88: {  	s22 =	sadd.s32 $0x1, s22;
	_ =	strace $0x90000052  }
0x89: {  	p0 =	sne.s32 s22, s9;
	_ =	strace $0x80000053  }
0x8a: {  	[hbm:s8], [sflag:s10] =	dma.local [spmem:s11], $0x2780  }
.Ltmp2:
0x8b: {  	_ = 	snop;
	(pc) =	sbr.rel @p0 .LBB2_1-.Ltmp2, $4  }
0x8c: {  	_ =	swait.ge [sflag:s12], $0x2780  }
0x8d: {  	[sflag:s12] =	ssyncset.done $0x0  }
0x8e: {  	[sflag:s12] =	ssyncadd.s32 $0xFFFFD880  }
0x8f: {  	_ =	strace $0x90000053  }
0x90: {  	_ =	sfence.sel $0x180000  }
0x91: {  	[bflag:$0x0] =	sbarrier.arrive $0xFFFF  }
0x92: {  	p0 =	sne.s32 s3, $0x0;
	_ =	strace $0x90000050  }
0x93: {  	s0 =	sadd.s32 @!p0 $0x100000, s0;
	[bflag:$0x2] =	sbarrier.arrive $0xFFFF  }
0x94: {  	[sflag:s0] =	ssyncadd.tile.s32 @!p0 $0x1;
	_ =	shalt  }
.Lfunc_end2:
_tile_overlayer_lowered:
.L_overlay_start_2:
0x95: {  	(tag) =	ssettag $0x2  }
0x96: {  	s0 =	rddreg [dreg:$0x0];
	s2 =	stileid.u32  }
0x97: {  	s1 =	rddreg [dreg:$0x1];
	p0 =	sne.s32 s2, $0x0  }
0x98: {  	s3 =	rddreg [dreg:$0x2];
	[bflag:$0x3] =	sbarrier.arrive $0xFFFF;
	s2 =	simm.s32 @!p0 $0x1C05  }
0x99: {  	[timem:s3], [sflag:s2] =	dma.local @!p0 [hbm:s0], s1  }
0x9a: {  	s0 =	simm.s32 @!p0 $0x5  }
0x9b: {  	_ =	swait.ge @!p0 [sflag:s0], s1  }
0x9c: {  	s1 =	ssub.s32 @!p0 $0x0, s1;
	[sflag:s0] =	ssyncset.done @!p0 $0x0  }
0x9d: {  	[sflag:s0] =	ssyncadd.s32 @!p0 s1  }
0x9e: {  	[bflag:$0x3] =	sbarrier.arrive $0xFFFF  }
0x9f: {  	_ =	shalt  }

// kernel: kernel.8.cloned.1.call-start
scs
__scs_entry_jumppad:
0x0: {  	(pc) =	sbr.rel $0x88, $3  }
0x1: {  	(tag) =	ssettag $0x0;
	lr =	simm.s32 $0x1  }
0x2: {  	[smem:$0x3F9B] =	sst lr;
	_ =	strace $0xD0000000  }
0x3: {  	_ = 	snop  }
0x4: {  	_ = 	snop  }
0x5: {  	_ = 	snop  }
0x6: {  	_ = 	snop  }
0x7: {  	_ = 	snop  }
__scs_overlays_trampoline_lowered:
0x8: {  	[smem:$0x3FAA] =	sst s0  }
0x9: {  	[smem:$0x3FAB] =	sst s1  }
0xa: {  	[smem:$0x3FAC] =	sst s2  }
0xb: {  	[smem:$0x3FAD] =	sst s3  }
0xc: {  	[smem:$0x3FAE] =	sst s4  }
0xd: {  	[smem:$0x3FAF] =	sst s5  }
0xe: {  	[smem:$0x3FB0] =	sst s6  }
0xf: {  	[smem:$0x3FB1] =	sst s7  }
0x10: {  	[smem:$0x3FB2] =	sst s8  }
0x11: {  	[smem:$0x3FB3] =	sst s9;
	s0 =	simm.s32 @!p0 $0x0  }
0x12: {  	s1 =	sld [smem:$0x3F99];
	s0 =	simm.s32 @p0 $0x1  }
0x13: {  	[smem:$0x3FB4] =	sst s0;
	s0 =	simm.s32 @!p1 $0x0  }
0x14: {  	s2 =	sld [smem:$0x3F98];
	s0 =	simm.s32 @p1 $0x1  }
0x15: {  	[smem:$0x3FB5] =	sst s0;
	s0 =	simm.s32 @!p2 $0x0  }
0x16: {  	s3 =	sld [smem:$0x3FDB];
	s0 =	simm.s32 @p2 $0x1  }
0x17: {  	s4 =	simm.s32 $0x1BF5;
	[smem:$0x3FB7] =	sst s0  }
0x18: {  	s0 =	sld [smem:$0x3F9A];
	_ =	swait.ge [sflag:s4], $0x0  }
0x19: {  	s7 =	sld [smem:$0x3F9B]  }
0x1a: {  	s8 =	sadd.s32 $0xFFFFE003, lr  }
0x1b: {  	s9 =	sadd.s32 $0xFFFFFEF7, lr;
	s5 =	simm.s32 $0xFFFFFFFF;
	p2 =	slt.u32 s8, $0xFFFFF086  }
0x1c: {  	p1 =	slt.u32 s9, $0xF7A;
	s5 =	simm.s32 @!p2 $0x0  }
0x1d: {  	s5 =	simm.s32 @p1 $0x1;
	p0 =	seq.s32 s7, s2  }
0x1e: {  	s7 =	smul.u32 @!p0 $0xF7A, s2;
	p2 =	seq.s32 @!p0 s5, $0x0  }
0x1f: {  	s9 =	smul.u32 $0xF7A, s1;
	s8 =	simm.s32 @!p0 $0x1BF5;
	p2 =	por !p2, p0  }
0x20: {  	[sflag:s8] =	ssyncset.s32 @!p0 $0xFFFFF086;
	s6 =	sadd.s32 @!p0 s3, s7;
	s7 =	simm.s32 @!p0 $0x108  }
0x21: {  	s3 =	sadd.s32 s3, s9;
	s6 =	sadd.s32 @!p0 $0x88, s6;
	s7 =	simm.s32 @p2 $0x1082  }
0x22: {  	[simem:s7], [sflag:s8] =	dma.local @!p0 [hbm:s6], $0xF7A  }
0x23: {  	s9 =	sor.u32 $0xD0000000, s2;
	s6 =	simm.s32 $0x108;
	_ =	swait.ge @!p0 [sflag:s8], $0x0  }
0x24: {  	s3 =	sadd.s32 $0x88, s3;
	s6 =	simm.s32 @!p1 $0x1082;
	[sflag:s4] =	ssyncset.s32 $0xFFFFF086  }
0x25: {  	[simem:s6], [sflag:s4] =	dma.local [hbm:s3], $0xF7A  }
0x26: {  	[smem:$0x3F9B] =	sst s1;
	(tag) =	ssettag s2;
	_ =	strace s9  }
0x27: {  	s1 =	sld [smem:$0x3FAB]  }
0x28: {  	s2 =	sld [smem:$0x3FAC]  }
0x29: {  	s4 =	sld [smem:$0x3FAE]  }
0x2a: {  	p0 =	seq.s32 s5, $0x0;
	s5 =	sld [smem:$0x3FAF]  }
0x2b: {  	s6 =	sld [smem:$0x3FB0]  }
0x2c: {  	s7 =	sld [smem:$0x3FB1]  }
0x2d: {  	s3 =	simm.s32 $0x108;
	s8 =	sld [smem:$0x3FB2]  }
0x2e: {  	s3 =	simm.s32 @!p0 $0x1082;
	s9 =	sld [smem:$0x3FB3]  }
0x2f: {  	lr =	sadd.s32 s0, s3;
	s0 =	sld [smem:$0x3FAA]  }
0x30: {  	s3 =	sld [smem:$0x3FAD]  }
0x31: {  	[smem:$0x3FB6] =	sst s10  }
0x32: {  	s10 =	sld [smem:$0x3FB4];
	_ =	sdelay $0x3  }
0x33: {  	p0 =	seq.s32 s10, $0x1;
	s10 =	sld [smem:$0x3FB6];
	_ =	sdelay $0x3  }
0x34: {  	[smem:$0x3FB6] =	sst s10  }
0x35: {  	s10 =	sld [smem:$0x3FB5];
	_ =	sdelay $0x3  }
0x36: {  	p1 =	seq.s32 s10, $0x1;
	s10 =	sld [smem:$0x3FB6];
	_ =	sdelay $0x3  }
0x37: {  	[smem:$0x3FB6] =	sst s10  }
0x38: {  	s10 =	sld [smem:$0x3FB7]  }
0x39: {  	_ = 	snop;
	(pc) =	sbr.ind lr, $3  }
0x3a: {  	_ = 	snop  }
0x3b: {  	_ = 	snop  }
0x3c: {  	p2 =	seq.s32 s10, $0x1;
	s10 =	sld [smem:$0x3FB6]  }
0x3d: {  	_ =	shalt  }
0x3e: {  	_ =	shalt  }
0x3f: {  	_ =	shalt  }
0x40: {  	_ =	shalt  }
0x41: {  	_ =	shalt  }
0x42: {  	_ =	shalt  }
0x43: {  	_ =	shalt  }
0x44: {  	_ =	shalt  }
0x45: {  	_ =	shalt  }
0x46: {  	_ =	shalt  }
0x47: {  	_ =	shalt  }
0x48: {  	_ =	shalt  }
0x49: {  	_ =	shalt  }
0x4a: {  	_ =	shalt  }
0x4b: {  	_ =	shalt  }
0x4c: {  	_ =	shalt  }
0x4d: {  	_ =	shalt  }
0x4e: {  	_ =	shalt  }
0x4f: {  	_ =	shalt  }
0x50: {  	_ =	shalt  }
0x51: {  	_ =	shalt  }
0x52: {  	_ =	shalt  }
0x53: {  	_ =	shalt  }
0x54: {  	_ =	shalt  }
0x55: {  	_ =	shalt  }
0x56: {  	_ =	shalt  }
0x57: {  	_ =	shalt  }
0x58: {  	_ =	shalt  }
0x59: {  	_ =	shalt  }
0x5a: {  	_ =	shalt  }
0x5b: {  	_ =	shalt  }
0x5c: {  	_ =	shalt  }
0x5d: {  	_ =	shalt  }
0x5e: {  	_ =	shalt  }
0x5f: {  	_ =	shalt  }
0x60: {  	_ =	shalt  }
0x61: {  	_ =	shalt  }
0x62: {  	_ =	shalt  }
0x63: {  	_ =	shalt  }
0x64: {  	_ =	shalt  }
0x65: {  	_ =	shalt  }
0x66: {  	_ =	shalt  }
0x67: {  	_ =	shalt  }
0x68: {  	_ =	shalt  }
0x69: {  	_ =	shalt  }
0x6a: {  	_ =	shalt  }
0x6b: {  	_ =	shalt  }
0x6c: {  	_ =	shalt  }
0x6d: {  	_ =	shalt  }
0x6e: {  	_ =	shalt  }
0x6f: {  	_ =	shalt  }
0x70: {  	_ =	shalt  }
0x71: {  	_ =	shalt  }
0x72: {  	_ =	shalt  }
0x73: {  	_ =	shalt  }
0x74: {  	_ =	shalt  }
0x75: {  	_ =	shalt  }
0x76: {  	_ =	shalt  }
0x77: {  	_ =	shalt  }
0x78: {  	_ =	shalt  }
0x79: {  	_ =	shalt  }
0x7a: {  	_ =	shalt  }
0x7b: {  	_ =	shalt  }
0x7c: {  	_ =	shalt  }
0x7d: {  	_ =	shalt  }
0x7e: {  	_ =	shalt  }
0x7f: {  	_ =	shalt  }
0x80: {  	_ =	shalt  }
0x81: {  	_ =	shalt  }
0x82: {  	_ =	shalt  }
0x83: {  	_ =	shalt  }
0x84: {  	_ =	shalt  }
0x85: {  	_ =	shalt  }
0x86: {  	_ =	shalt  }
0x87: {  	_ =	shalt  }
.Lfunc_end0:
.L_simem_size_0:
called_computation_lowered:
.L_overlay_start_0:
0x88: {  	s2 =	sld [smem:$0x3FD9]  }
0x89: {  	s3 =	sld [smem:$0x3FFE];
	_ =	sdelay $0x1  }
0x8a: {  	s1 =	srdreg.scid  }
0x8b: {  	s0 =	sand.u32 $0x1, s1  }
0x8c: {  	s17 =	sshll.u32 s0, $0xA;
	s2 =	sadd.s32 s3, s2  }
0x8d: {  	s2 =	sadd.s32 s2, s17  }
0x8e: {  	[smem:$0x3FC2] =	sst s2  }
0x8f: {  	_ = 	snop  }
0x90: {  	s2 =	sld [smem:$0x3FD0];
	(tm) =	ssettm $0x1  }
0x91: {  	s18 =	sld [smem:$0x3FFB];
	_ =	sdelay $0x3  }
0x92: {  	_ =	strace s18  }
0x93: {  	s3 =	sld [smem:$0x3FFC];
	_ =	sdelay $0x3  }
0x94: {  	_ =	strace s3  }
0x95: {  	s3 =	sld [smem:$0x3FFD];
	_ =	sdelay $0x3  }
0x96: {  	_ =	strace s3  }
0x97: {  	_ =	strace $0x8FFFFFFF  }
0x98: {  	s19 =	sld [smem:$0x3FDB];
	_ =	sdelay $0x1  }
0x99: {  	s4 =	simm.s32 $_scs_section_size  }
0x9a: {  	s5 =	simm.s32 $_size__tile_overlayer_lowered;
	s6 =	simm.s32 $_tile_overlayer_lowered  }
0x9b: {  	s22 =	simm.s32 $0x1BFF;
	s21 =	sshll.u32 s6, $0x1;
	s3 =	sadd.s32 s4, s19  }
0x9c: {  	s7 =	simm.s32 $0x0;
	s20 =	sshll.u32 s5, $0x1;
	s5 =	sadd.s32 s21, s3  }
0x9d: {  	[timem:s7], [sflag:s22] =	dma.local [hbm:s5], s20  }
0x9e: {  	_ =	swait.ge [sflag:s22], s20  }
0x9f: {  	s4 =	ssub.s32 $0x0, s20;
	[sflag:s22] =	ssyncset.done $0x0  }
0xa0: {  	[sflag:s22] =	ssyncadd.s32 s4;
	_ =	sdelay $0x1  }
0xa1: {  	s23 =	simm.s32 $0x1B8B  }
0xa2: {  	_ =	swait.ge [sflag:s23], $0x1  }
0xa3: {  	[sflag:s23] =	ssyncset.done $0x0  }
0xa4: {  	s25 =	simm.s32 $0x1B8E;
	s24 =	sld [smem:$0x3FFE];
	[sflag:s23] =	ssyncadd.s32 $0xFFFFFFFF  }
0xa5: {  	s26 =	simm.s32 $execute0_lowered;
	[smem:$0x3FD2] =	sst s25  }
0xa6: {  	s5 =	sshll.u32 s26, $0x1;
	_ =	strace $0x80000046;
	[dreg:$0x1] =	wrdreg $0xFFFFFFFF  }
0xa7: {  	s28 =	simm.s32 $_size_execute0_lowered;
	s3 =	sadd.s32 s3, s5;
	[dreg:$0x0] =	wrdreg $0x0  }
0xa8: {  	s5 =	sshll.u32 s28, $0x1;
	[dreg:$0x2] =	wrdreg s3  }
0xa9: {  	[dreg:$0x3] =	wrdreg s5  }
0xaa: {  	[dreg:$0x4] =	wrdreg $0xC0  }
0xab: {  	_ =	task [dreg:s7], $0x5FFFF  }
0xac: {  	[dreg:$0x1] =	wrdreg $0xFFFFFFFF  }
0xad: {  	[dreg:$0x0] =	wrdreg $0x60  }
0xae: {  	[dreg:$0x2] =	wrdreg s24  }
0xaf: {  	[dreg:$0x3] =	wrdreg s2  }
0xb0: {  	[dreg:$0x4] =	wrdreg $0x50800  }
0xb1: {  	[dreg:$0x5] =	wrdreg $0x9  }
0xb2: {  	_ =	task.clear_ibuf [dreg:s7], $0x6FFFF;
	_ =	strace $0x90000046  }
0xb3: {  	s29 =	simm.s32 $0x9;
	_ =	strace $0x80000048  }
0xb4: {  	_ =	swait.ge [sflag:s29], $0x1  }
0xb5: {  	[sflag:s29] =	ssyncadd.s32 $0xFFFFFFFF  }
0xb6: {  	_ =	strace $0x90000048  }
0xb7: {  	_ =	sfence  }
0xb8: {  	s30 =	sld [smem:$0x0];
	_ =	sdelay $0x2  }
0xb9: {  	s31 =	sshll.u32 s1, $0xD;
	s1 =	sshrl.u32 s1, $0x2  }
0xba: {  	s3 =	sand.u32 $0x4000, s31;
	s1 =	sadd.s32 s1, s30  }
0xbb: {  	s0 =	sor.u32 s3, s0;
	s1 =	sshll.u32 s1, $0x11  }
0xbc: {  	s0 =	sor.u32 s1, s0  }
0xbd: {  	s0 =	sadd.s32 $0x8F2B, s0  }
0xbe: {  	[sflag:s0] =	ssyncadd.remote.s32 $0x1  }
0xbf: {  	_ =	sfence.sel $0xFFFF  }
0xc0: {  	[dreg:$0x0] =	wrdreg $0xFFFFFFFF;
	(pc) =	sbr.abs _section_cstart, $3  }
0xc1: {  	[dreg:$0x1] =	wrdreg $0xFFFFFFFF  }
0xc2: {  	_ =	task.clear_ibuf [dreg:s7], $0x2FFFF;
	_ =	strace $0x9FFFFFFF  }
0xc3: {  	(tm) =	ssettm $0x7FFFFFFF  }
tec
execute0_lowered:
.L_overlay_start_1:
0x0: {  	(tag) =	ssettag $0x1  }
0x1: {  	s5 =	rddreg [dreg:$0x0]  }
0x2: {  	s1 =	srdreg.scid;
	s7 =	rddreg [dreg:$0x1]  }
0x3: {  	s0 =	stileid.u32;
	s2 =	rddreg [dreg:$0x2]  }
0x4: {  	s3 =	simm.s32 $0x0;
	s13 =	simm.s32 $0x80;
	s14 =	simm.s32 $0x20  }
0x5: {  	s15 =	simm.s32 $0x10;
	s16 =	simm.s32 $0x0;
	s6 =	sand.u32 $0x1, s1  }
0x6: {  	s29 =	sshll.u32 s0, $0x1;
	s1 =	rddreg [dreg:$0x3];
	s10 =	smul.u32 $0x500, s0  }
0x7: {  	[smem:$0x7FF] =	sst s3;
	s12 =	smul.u32 $0xA00, s0;
	s31 =	sshll.u32 s0, $0x6  }
0x8: {  	s4 =	sor.u32 s6, s29;
	_ =	strace $0x80000047;
	s9 =	ssub.s32 $0x2, s6  }
0x9: {  	s6 =	sshll.u32 s6, $0x7;
	s4 =	smul.u32 $0xA00, s4;
	s11 =	sshrl.u32 s9, $0x1  }
0xa: {  	s10 =	sor.u32 s6, s10;
	s30 =	sshrl.u32 s12, $0x2;
	s9 =	ssub.s32 s9, s11  }
0xb: {  	s10 =	sshrl.u32 s10, $0x3;
	s12 =	sadd.s32 s30, s2;
	s11 =	sor.u32 $0x1C01, s31  }
0xc: {  	s8 =	sadd.s32 s4, s5;
	s4 =	sadd.s32 $0x17000, s5;
	s5 =	sadd.s32 $0x16E00, s5  }
0xd: {  	s7 =	sadd.s32 s7, s10;
	s10 =	simm.s32 $0x5000;
	s12 =	sshrl.u32 s12, $0x3  }
0xe: {  	s6 =	sadd.s32 $0x2E00, s8;
	s8 =	smax.u32 s9, $0x1;
	s9 =	simm.s32 $0x1  }
.LBB2_1:
0xf: {  	[tilespmem:s3], [sflag:$0x1] =	stream.linear.gather [hbm4b:s6+s3], $0x5000, $0x38;
	[tilespmem:$0x5300] =	vst v63  }
0x10: {  	_ =	swait.ge [sflag:s9], $0x5000  }
0x11: {  	[sflag:s9] =	ssyncset.done $0x0  }
0x12: {  	[sflag:s9] =	ssyncadd.s32 $0xFFFFB000  }
0x13: {  	[tilespmem:s10], [sflag:$0x1] =	stream.linear.gather [hbm4b:s5+s3], $0x80, $0x38;
	[tilespmem:$0x5300] =	vst v63  }
0x14: {  	_ =	swait.ge [sflag:s9], $0x80  }
0x15: {  	[sflag:s9] =	ssyncset.done $0x0  }
0x16: {  	[sflag:s9] =	ssyncadd.s32 $0xFFFFFF80  }
0x17: {  	[spmem:s12], [sflag:s11] =	dma.local [hbm:s4], $0x50  }
0x18: {  	_ =	swait.ge [sflag:s9], $0x50  }
0x19: {  	[sflag:s9] =	ssyncset.done $0x0  }
0x1a: {  	[sflag:s9] =	ssyncadd.s32 $0xFFFFFFB0  }
0x1b: {  	s17 =	simm.s32 $0x80;
	[bflag:$0x0] =	sbarrier.arrive $0xFFFF  }
0x1c: {  	[spmem:s2] =	stream.indirect.scatter.add.f32 [tilespmem:s10], [sflag:$0x1], $0x1, s17, s13, $0xb8;
	[tilespmem:$0x5300] =	vst v63  }
0x1d: {  	_ =	swait.ge [sflag:s9], $0x80  }
0x1e: {  	s17 =	simm.s32 $0x600;
	[sflag:s9] =	ssyncset.done $0x0  }
.LBB2_2:
0x1f: {  	s18 =	sshra.s32 s17, $0x2;
	[sflag:s9] =	ssyncadd.s32 $0xFFFFFF80;
	p0 =	sne.s32 s17, $0x13E00  }
0x20: {  	[spmem:s2] =	stream.indirect.scatter.add.f32 [tilespmem:s10], [sflag:$0x1], $0x1, s18, s13, $0xb8;
	[tilespmem:$0x5300] =	vst v63  }
.Ltmp0:
0x21: {  	_ = 	snop;
	(pc) =	sbr.rel @p0 .LBB2_2-.Ltmp0, $4  }
0x22: {  	_ = 	snop  }
0x23: {  	s17 =	sadd.s32 $0x400, s17  }
0x24: {  	_ =	swait.ge [sflag:s9], $0x80  }
0x25: {  	[sflag:s9] =	ssyncset.done $0x0  }
0x26: {  	s16 =	sadd.s32 $0x1, s16  }
0x27: {  	[sflag:s9] =	ssyncadd.s32 $0xFFFFFF80;
	p0 =	sne.s32 s16, s8  }
.Ltmp1:
0x28: {  	[bflag:$0x0] =	sbarrier.arrive $0xFFFF;
	(pc) =	sbr.rel @p0 .LBB2_1-.Ltmp1, $4  }
0x29: {  	[hbm:s7@s14], [sflag:s11] =	dma.strided [spmem:s12@s15], $0x50, s9, $0x10   }
0x2a: {  	_ =	swait.ge [sflag:s9], $0x50  }
0x2b: {  	[sflag:s9] =	ssyncset.done $0x0  }
0x2c: {  	[sflag:s9] =	ssyncadd.s32 $0xFFFFFFB0  }
0x2d: {  	_ =	sfence.sel $0x180000  }
0x2e: {  	[bflag:$0x0] =	sbarrier.arrive $0xFFFF  }
0x2f: {  	p0 =	sne.s32 s0, $0x0;
	_ =	strace $0x90000047  }
0x30: {  	s0 =	sadd.s32 @!p0 $0x100000, s1;
	[bflag:$0x2] =	sbarrier.arrive $0xFFFF  }
0x31: {  	[sflag:s0] =	ssyncadd.tile.s32 @!p0 $0x1;
	_ =	shalt  }
.Lfunc_end2:
_tile_overlayer_lowered:
.L_overlay_start_2:
0x32: {  	(tag) =	ssettag $0x2  }
0x33: {  	s0 =	rddreg [dreg:$0x0];
	s2 =	stileid.u32  }
0x34: {  	s1 =	rddreg [dreg:$0x1];
	p0 =	sne.s32 s2, $0x0  }
0x35: {  	s3 =	rddreg [dreg:$0x2];
	[bflag:$0x3] =	sbarrier.arrive $0xFFFF;
	s2 =	simm.s32 @!p0 $0x1C01  }
0x36: {  	[timem:s3], [sflag:s2] =	dma.local @!p0 [hbm:s0], s1  }
0x37: {  	s0 =	simm.s32 @!p0 $0x1  }
0x38: {  	_ =	swait.ge @!p0 [sflag:s0], s1  }
0x39: {  	s1 =	ssub.s32 @!p0 $0x0, s1;
	[sflag:s0] =	ssyncset.done @!p0 $0x0  }
0x3a: {  	[sflag:s0] =	ssyncadd.s32 @!p0 s1  }
0x3b: {  	[bflag:$0x3] =	sbarrier.arrive $0xFFFF  }
0x3c: {  	_ =	shalt  }

</sc_bundles>
